<compile_context>
chip_gen: v7x
topology: tpu7x:2x2x1
jax: 0.10.2.dev20260603
libtpu: 0.0.44.dev20260713+nightly
codegen_flags: <defaults>
</compile_context>

<pallas_src>
import functools

import jax
import jax.numpy as jnp
from jax import lax
from jax.experimental import pallas as pl
from jax.experimental.pallas import tpu as pltpu, tpu_sc as plsc

N = 10000
E = 320000
D = 128
H = 8
C = 16
HP = 4
TW = 80
AW = 16
T2W = 16

NC = 2
NS = 16
NW = NC * NS
E_PER = E // NW
K1 = 80
NCH1 = E_PER // K1
K2 = 80
NCH2 = E_PER // K2
NP = 10240
ROWS_PER_TILE = NP // NS
ZR = 128

BR = 2000
GRID = N // BR

_mesh = plsc.VectorSubcoreMesh(core_axis_name="c", subcore_axis_name="s")
_sc_params = pltpu.CompilerParams(use_tc_tiling_on_sc=False)


def _tc1_body(x_ref, w1_ref, m1a_ref, m1b_ref, m2_ref,
              t1a_ref, t1b_ref, a1_ref):
    h = jnp.dot(x_ref[...], w1_ref[...], preferred_element_type=jnp.float32)
    t1a_ref[...] = jnp.dot(h, m1a_ref[...], preferred_element_type=jnp.float32)
    t1b_ref[...] = jnp.dot(h, m1b_ref[...], preferred_element_type=jnp.float32)
    a1_ref[...] = jnp.dot(h, m2_ref[...], preferred_element_type=jnp.float32)


def _tc1(x, W1, M1a, M1b, M2):
    return pl.pallas_call(
        _tc1_body,
        grid=(GRID,),
        in_specs=[
            pl.BlockSpec((BR, D), lambda i: (i, 0)),
            pl.BlockSpec((D, D), lambda i: (0, 0)),
            pl.BlockSpec((D, TW), lambda i: (0, 0)),
            pl.BlockSpec((D, TW), lambda i: (0, 0)),
            pl.BlockSpec((D, AW), lambda i: (0, 0)),
        ],
        out_specs=[
            pl.BlockSpec((BR, TW), lambda i: (i, 0)),
            pl.BlockSpec((BR, TW), lambda i: (i, 0)),
            pl.BlockSpec((BR, AW), lambda i: (i, 0)),
        ],
        out_shape=[
            jax.ShapeDtypeStruct((N, TW), jnp.float32),
            jax.ShapeDtypeStruct((N, TW), jnp.float32),
            jax.ShapeDtypeStruct((N, AW), jnp.float32),
        ],
    )(x, W1, M1a, M1b, M2)


def _sc1_body(t1a_hbm, t1b_hbm, a1_hbm, src_hbm, dst_hbm, out_hbm,
              src_v, dst_v, g1, g2, outb, zbuf, s_sh, sem1, sem2):
    c = lax.axis_index("c")
    s = lax.axis_index("s")
    wid = c * NS + s

    def zrow(r, _):
        for j in range(TW // 16):
            zbuf[r, pl.ds(16 * j, 16)] = jnp.zeros((16,), jnp.float32)
        return 0
    lax.fori_loop(0, ZR, zrow, 0)

    for p, t_hbm in ((0, t1a_hbm), (1, t1b_hbm)):
        for q in range(ROWS_PER_TILE // ZR):
            off = pl.multiple_of(s * ROWS_PER_TILE + q * ZR, 8)
            pltpu.sync_copy(zbuf, s_sh.at[pl.ds(off, ZR)])
        plsc.subcore_barrier()

        def chunk(i, _):
            base = pl.multiple_of(wid * E_PER + i * K1, 8)
            pltpu.sync_copy(src_hbm.at[pl.ds(base, K1)], src_v)
            pltpu.sync_copy(dst_hbm.at[pl.ds(base, K1)], dst_v)
            cp1 = pltpu.async_copy(t_hbm.at[src_v], g1, sem1)
            cp2 = pltpu.async_copy(a1_hbm.at[dst_v], g2, sem2)
            cp1.wait()
            cp2.wait()

            def edge(e, _):
                a_s = g1[e, pl.ds(HP * C, 16)]
                a_d = g2[e, :]
                ev = a_s + a_d
                ev = jnp.maximum(ev, 0.2 * ev)
                gv = jnp.exp(ev)
                outb[e, pl.ds(HP * C, 16)] = gv
                for j in range(HP):
                    gj = gv[HP * p + j]
                    outb[e, pl.ds(16 * j, 16)] = (
                        g1[e, pl.ds(16 * j, 16)] * gj)
                return 0
            lax.fori_loop(0, K1, edge, 0)
            pltpu.sync_copy(outb, s_sh.at[dst_v], add=True)
            return 0
        lax.fori_loop(0, NCH1, chunk, 0)
        plsc.subcore_barrier()

        rb = pl.multiple_of(s * ROWS_PER_TILE, 8)
        pltpu.sync_copy(s_sh.at[pl.ds(rb, ROWS_PER_TILE)],
                        out_hbm.at[p, c, pl.ds(rb, ROWS_PER_TILE)])


_sc1 = functools.partial(
    pl.kernel,
    out_type=jax.ShapeDtypeStruct((2, NC, NP, TW), jnp.float32),
    mesh=_mesh,
    scratch_types=[
        pltpu.VMEM((K1,), jnp.int32),
        pltpu.VMEM((K1,), jnp.int32),
        pltpu.VMEM((K1, TW), jnp.float32),
        pltpu.VMEM((K1, AW), jnp.float32),
        pltpu.VMEM((K1, TW), jnp.float32),
        pltpu.VMEM((ZR, TW), jnp.float32),
        pltpu.VMEM_SHARED((NP, TW), jnp.float32),
        pltpu.SemaphoreType.DMA,
        pltpu.SemaphoreType.DMA,
    ],
    compiler_params=_sc_params,
)(_sc1_body)


def _tc2_body(p_ref, ma_ref, mb_ref, da_ref, db_ref, w2s_ref, w2d_ref,
              b1_ref, t2s_ref, t2d_ref):
    Sa = p_ref[0, 0] + p_ref[0, 1]
    Sb = p_ref[1, 0] + p_ref[1, 1]
    msg = (jnp.dot(Sa, ma_ref[...], preferred_element_type=jnp.float32)
           + jnp.dot(Sb, mb_ref[...], preferred_element_type=jnp.float32))
    den = (jnp.dot(Sa, da_ref[...], preferred_element_type=jnp.float32)
           + jnp.dot(Sb, db_ref[...], preferred_element_type=jnp.float32))
    out1 = jnp.maximum(msg / (den + 1e-16) + b1_ref[...], 0.0)
    one2 = (lax.broadcasted_iota(jnp.int32, (1, T2W), 1) == 2
            ).astype(jnp.float32)
    t2s_ref[...] = (jnp.dot(out1, w2s_ref[...],
                            preferred_element_type=jnp.float32) + one2)
    t2d_ref[...] = jnp.dot(out1, w2d_ref[...],
                           preferred_element_type=jnp.float32)


def _tc2(P1, MA, MB, DA, DB, W2s, W2d, b1r):
    return pl.pallas_call(
        _tc2_body,
        grid=(GRID,),
        in_specs=[
            pl.BlockSpec((2, NC, BR, TW), lambda i: (0, 0, i, 0)),
            pl.BlockSpec((TW, D), lambda i: (0, 0)),
            pl.BlockSpec((TW, D), lambda i: (0, 0)),
            pl.BlockSpec((TW, D), lambda i: (0, 0)),
            pl.BlockSpec((TW, D), lambda i: (0, 0)),
            pl.BlockSpec((D, T2W), lambda i: (0, 0)),
            pl.BlockSpec((D, T2W), lambda i: (0, 0)),
            pl.BlockSpec((1, D), lambda i: (0, 0)),
        ],
        out_specs=[
            pl.BlockSpec((BR, T2W), lambda i: (i, 0)),
            pl.BlockSpec((BR, T2W), lambda i: (i, 0)),
        ],
        out_shape=[
            jax.ShapeDtypeStruct((N, T2W), jnp.float32),
            jax.ShapeDtypeStruct((N, T2W), jnp.float32),
        ],
    )(P1, MA, MB, DA, DB, W2s, W2d, b1r)


def _sc2_body(t2s_hbm, t2d_hbm, src_hbm, dst_hbm, out_hbm,
              src_v, dst_v, g1, g2, outb, zbuf, s_sh, sem1, sem2):
    c = lax.axis_index("c")
    s = lax.axis_index("s")
    wid = c * NS + s

    def zrow(r, _):
        zbuf[r, :] = jnp.zeros((16,), jnp.float32)
        return 0
    lax.fori_loop(0, ZR, zrow, 0)
    for q in range(ROWS_PER_TILE // ZR):
        off = pl.multiple_of(s * ROWS_PER_TILE + q * ZR, 8)
        pltpu.sync_copy(zbuf, s_sh.at[pl.ds(off, ZR)])
    plsc.subcore_barrier()

    def chunk(i, _):
        base = pl.multiple_of(wid * E_PER + i * K2, 8)
        pltpu.sync_copy(src_hbm.at[pl.ds(base, K2)], src_v)
        pltpu.sync_copy(dst_hbm.at[pl.ds(base, K2)], dst_v)
        cp1 = pltpu.async_copy(t2s_hbm.at[src_v], g1, sem1)
        cp2 = pltpu.async_copy(t2d_hbm.at[dst_v], g2, sem2)
        cp1.wait()
        cp2.wait()

        def edge(e, _):
            row_s = g1[e, :]
            row_d = g2[e, :]
            ev = row_s + row_d
            ev = jnp.maximum(ev, 0.2 * ev)
            gv = jnp.exp(ev)
            outb[e, :] = row_s * gv[3]
            return 0
        lax.fori_loop(0, K2, edge, 0)
        pltpu.sync_copy(outb, s_sh.at[dst_v], add=True)
        return 0
    lax.fori_loop(0, NCH2, chunk, 0)
    plsc.subcore_barrier()

    rb = pl.multiple_of(s * ROWS_PER_TILE, 8)
    pltpu.sync_copy(s_sh.at[pl.ds(rb, ROWS_PER_TILE)],
                    out_hbm.at[c, pl.ds(rb, ROWS_PER_TILE)])


_sc2 = functools.partial(
    pl.kernel,
    out_type=jax.ShapeDtypeStruct((NC, NP, T2W), jnp.float32),
    mesh=_mesh,
    scratch_types=[
        pltpu.VMEM((K2,), jnp.int32),
        pltpu.VMEM((K2,), jnp.int32),
        pltpu.VMEM((K2, T2W), jnp.float32),
        pltpu.VMEM((K2, T2W), jnp.float32),
        pltpu.VMEM((K2, T2W), jnp.float32),
        pltpu.VMEM((ZR, T2W), jnp.float32),
        pltpu.VMEM_SHARED((NP, T2W), jnp.float32),
        pltpu.SemaphoreType.DMA,
        pltpu.SemaphoreType.DMA,
    ],
    compiler_params=_sc_params,
)(_sc2_body)


def _tc3_body(p_ref, e01_ref, e22_ref, b2_ref, out_ref):
    S2 = p_ref[0] + p_ref[1]
    num = jnp.dot(S2, e01_ref[...], preferred_element_type=jnp.float32)
    den = jnp.dot(S2, e22_ref[...], preferred_element_type=jnp.float32)
    out_ref[...] = num / (den + 1e-16) + b2_ref[...]


def _tc3(P2, E01, E22, b2r):
    return pl.pallas_call(
        _tc3_body,
        grid=(GRID,),
        in_specs=[
            pl.BlockSpec((NC, BR, T2W), lambda i: (0, i, 0)),
            pl.BlockSpec((T2W, 2), lambda i: (0, 0)),
            pl.BlockSpec((T2W, 2), lambda i: (0, 0)),
            pl.BlockSpec((1, 2), lambda i: (0, 0)),
        ],
        out_specs=pl.BlockSpec((BR, 2), lambda i: (i, 0)),
        out_shape=jax.ShapeDtypeStruct((N, 2), jnp.float32),
    )(P2, E01, E22, b2r)


def kernel(x, edge_index, W1, att_src1, att_dst1, b1, W2, att_src2,
           att_dst2, b2):
    src = edge_index[0].astype(jnp.int32)
    dst = edge_index[1].astype(jnp.int32)

    eye8 = jnp.eye(H, dtype=jnp.float32)
    eye64 = jnp.eye(64, dtype=jnp.float32)
    z64 = jnp.zeros((64, 64), jnp.float32)
    As = (att_src1[:, :, None] * eye8[:, None, :]).reshape(D, H)
    Ad = (att_dst1[:, :, None] * eye8[:, None, :]).reshape(D, H)
    M1a = jnp.concatenate(
        [jnp.concatenate([eye64, z64], axis=0),
         jnp.concatenate([As[:, 0:HP], jnp.zeros((D, 12), jnp.float32)],
                         axis=1)], axis=1)
    M1b = jnp.concatenate(
        [jnp.concatenate([z64, eye64], axis=0),
         jnp.concatenate([jnp.zeros((D, HP), jnp.float32), As[:, HP:H],
                          jnp.zeros((D, 8), jnp.float32)], axis=1)], axis=1)
    M2 = jnp.concatenate([Ad, jnp.zeros((D, AW - H), jnp.float32)], axis=1)
    MA = jnp.concatenate(
        [jnp.concatenate([eye64, z64], axis=1),
         jnp.zeros((16, D), jnp.float32)], axis=0)
    MB = jnp.concatenate(
        [jnp.concatenate([z64, eye64], axis=1),
         jnp.zeros((16, D), jnp.float32)], axis=0)
    rep8 = jnp.repeat(eye8, C, axis=1)
    DA = jnp.concatenate(
        [jnp.zeros((64, D), jnp.float32), rep8[0:HP],
         jnp.zeros((12, D), jnp.float32)], axis=0)
    DB = jnp.concatenate(
        [jnp.zeros((68, D), jnp.float32), rep8[HP:H],
         jnp.zeros((8, D), jnp.float32)], axis=0)
    W2s = jnp.concatenate(
        [W2, jnp.zeros((D, 1), jnp.float32), (W2 @ att_src2[0])[:, None],
         jnp.zeros((D, T2W - 4), jnp.float32)], axis=1)
    W2d = jnp.concatenate(
        [jnp.zeros((D, 3), jnp.float32), (W2 @ att_dst2[0])[:, None],
         jnp.zeros((D, T2W - 4), jnp.float32)], axis=1)
    E01 = jnp.zeros((T2W, 2), jnp.float32).at[0, 0].set(1.0).at[1, 1].set(1.0)
    E22 = jnp.zeros((T2W, 2), jnp.float32).at[2, 0].set(1.0).at[2, 1].set(1.0)

    T1a, T1b, A1 = _tc1(x, W1, M1a, M1b, M2)
    P1 = _sc1(T1a, T1b, A1, src, dst)
    T2s, T2d = _tc2(P1, MA, MB, DA, DB, W2s, W2d, b1[None, :])
    P2 = _sc2(T2s, T2d, src, dst)
    return _tc3(P2, E01, E22, b2[None, :])

# --- scband reference (transcript-rebuilt; emitter-appended) ---
"""Pipeline reference for scband-graph-attention-network-40699110097196 (READ-ONLY COPY).

The authoritative reference and input builder live on the scoring server;
editing this copy changes nothing except your own understanding.
"""

import jax, jax.numpy as jnp
import numpy as np

N_NODES = 10000
N_EDGES = 320000
D_FEAT = 128
HIDDEN = 16
HEADS = 8
OUT_CLASSES = 2


def gat_conv(x, edge_index, W, att_src, att_dst, bias, heads, out_ch, concat):
    N = x.shape[0]
    src = edge_index[0]
    dst = edge_index[1]
    h = (x @ W).reshape(N, heads, out_ch)
    a_s = (h * att_src[None, :, :]).sum(-1)  # [N, H]
    a_d = (h * att_dst[None, :, :]).sum(-1)  # [N, H]
    e = a_s[src] + a_d[dst]                  # [E, H]
    e = jax.nn.leaky_relu(e, negative_slope=0.2)
    m = jax.ops.segment_max(e, dst, num_segments=N)
    m = jnp.where(jnp.isfinite(m), m, 0.0)
    ex = jnp.exp(e - m[dst])
    denom = jax.ops.segment_sum(ex, dst, num_segments=N)
    alpha = ex / (denom[dst] + 1e-16)        # softmax over incoming edges per dst
    msg = h[src] * alpha[:, :, None]         # [E, H, C]
    out = jax.ops.segment_sum(msg, dst, num_segments=N)  # [N, H, C]
    if concat:
        out = out.reshape(N, heads * out_ch)
    else:
        out = out.mean(axis=1)
    return out + bias


def setup_inputs(seed: int = 0) -> dict:
    key = jax.random.key(seed)
    ks = jax.random.split(key, 10)
    x = jax.random.normal(ks[0], (N_NODES, D_FEAT), dtype=jnp.float32)
    edge_index = jax.random.randint(ks[1], (2, N_EDGES), 0, N_NODES, dtype=jnp.int64 if jax.config.jax_enable_x64 else jnp.int32).astype(jnp.int32)
    s1 = 1.0 / np.sqrt(D_FEAT)
    W1 = jax.random.normal(ks[2], (D_FEAT, HEADS * HIDDEN), dtype=jnp.float32) * s1
    att_src1 = jax.random.normal(ks[3], (HEADS, HIDDEN), dtype=jnp.float32) * s1
    att_dst1 = jax.random.normal(ks[4], (HEADS, HIDDEN), dtype=jnp.float32) * s1
    b1 = jnp.zeros((HEADS * HIDDEN,), dtype=jnp.float32)
    s2 = 1.0 / np.sqrt(HEADS * HIDDEN)
    W2 = jax.random.normal(ks[5], (HEADS * HIDDEN, OUT_CLASSES), dtype=jnp.float32) * s2
    att_src2 = jax.random.normal(ks[6], (1, OUT_CLASSES), dtype=jnp.float32) * s2
    att_dst2 = jax.random.normal(ks[7], (1, OUT_CLASSES), dtype=jnp.float32) * s2
    b2 = jnp.zeros((OUT_CLASSES,), dtype=jnp.float32)
    return {"x": x, "edge_index": edge_index, "W1": W1, "att_src1": att_src1,
            "att_dst1": att_dst1, "b1": b1, "W2": W2, "att_src2": att_src2,
            "att_dst2": att_dst2, "b2": b2}


def reference(x, edge_index, W1, att_src1, att_dst1, b1, W2, att_src2, att_dst2, b2):
    h = gat_conv(x, edge_index, W1, att_src1, att_dst1, b1, HEADS, HIDDEN, concat=True)
    h = jax.nn.relu(h)
    # F.dropout(p=0.5, training=self.training): identity in eval mode
    out = gat_conv(h, edge_index, W2, att_src2, att_dst2, b2, 1, OUT_CLASSES, concat=True)
    return out

if __name__ == "__main__":
    import jax
    _d = setup_inputs()
    print(jax.jit(kernel)(*tuple(_d.values())))

</pallas_src>

<mosaic_0001>
#map = affine_map<(d0, d1) -> (0, 0)>
#map1 = affine_map<(d0, d1) -> (0)>
#map2 = affine_map<(d0, d1) -> (0, 0, 0, 0)>
module attributes {stable_mosaic.version = 14 : i64} {
  func.func @_sc1_body(%arg0: i32, %arg1: i32, %arg2: memref<10000x80xf32, #tpu.memory_space<hbm>>, %arg3: memref<10000x80xf32, #tpu.memory_space<hbm>>, %arg4: memref<10000x16xf32, #tpu.memory_space<hbm>>, %arg5: memref<320000xi32, #tpu.memory_space<hbm>>, %arg6: memref<320000xi32, #tpu.memory_space<hbm>>, %arg7: memref<2x2x10240x80xf32, #tpu.memory_space<hbm>>, %arg8: memref<80xi32, #tpu.memory_space<vmem>>, %arg9: memref<80xi32, #tpu.memory_space<vmem>>, %arg10: memref<80x80xf32, #tpu.memory_space<vmem>>, %arg11: memref<80x16xf32, #tpu.memory_space<vmem>>, %arg12: memref<80x80xf32, #tpu.memory_space<vmem>>, %arg13: memref<128x80xf32, #tpu.memory_space<vmem>>, %arg14: memref<10240x80xf32, #tpu.memory_space<vmem_shared>>, %arg15: memref<!tpu.dma_semaphore, #tpu.memory_space<semaphore_mem>>, %arg16: memref<!tpu.dma_semaphore, #tpu.memory_space<semaphore_mem>>) attributes {dimension_semantics = [#tpu.dimension_semantics<core_parallel>, #tpu.dimension_semantics<subcore_parallel>], iteration_bounds = array<i64: 2, 16>, scalar_prefetch = 0 : i64, scratch_operands = 9 : i64, tpu.core_type = #tpu.core_type<sc_vector_subcore>, window_params = [{transform_indices = #map}, {transform_indices = #map}, {transform_indices = #map}, {transform_indices = #map1}, {transform_indices = #map1}, {transform_indices = #map2}]} {
    %mul3A = arith.constant 16 : i32
    %mul3A_0 = arith.muli %arg0, %mul3A : i32
    %add3A = arith.addi %mul3A_0, %arg1 : i32
    %scan3A = arith.constant 0 : i32
    %scan3A_1 = arith.constant 0 : i32
    %scan3A_2 = arith.constant 128 : i32
    %scan3A_3 = arith.addi %scan3A_1, %scan3A_2 : i32
    %scan3A_4 = arith.constant 1 : i32
    %scan3A_5 = scf.for %scan3A_80 = %scan3A_1 to %scan3A_3 step %scan3A_4 iter_args(%scan3A_81 = %scan3A) -> (i32)  : i32 {
      %broadcast_in_dim3A = arith.constant 0.000000e+00 : f32
      %broadcast_in_dim3A_82 = vector.broadcast %broadcast_in_dim3A : f32 to vector<16xf32>
      %swap3A = arith.index_cast %scan3A_80 : i32 to index
      %swap3A_83 = arith.constant 0 : index
      %swap3A_84 = tpu.vector_load %arg13[%swap3A, %swap3A_83] {strides = array<i32>} : memref<128x80xf32, #tpu.memory_space<vmem>>, vector<1x16xf32>,
      %swap3A_85 = vector.shape_cast %swap3A_84 : vector<1x16xf32> to vector<16xf32>
      %swap3A_86 = vector.shape_cast %broadcast_in_dim3A_82 : vector<16xf32> to vector<1x16xf32>
      tpu.vector_store %arg13[%swap3A, %swap3A_83], %swap3A_86 {strides = array<i32>} : memref<128x80xf32, #tpu.memory_space<vmem>>, vector<1x16xf32>,
      %broadcast_in_dim3A_87 = arith.constant 0.000000e+00 : f32
      %broadcast_in_dim3A_88 = vector.broadcast %broadcast_in_dim3A_87 : f32 to vector<16xf32>
      %swap3A_89 = arith.index_cast %scan3A_80 : i32 to index
      %swap3A_90 = arith.constant 16 : index
      %swap3A_91 = tpu.vector_load %arg13[%swap3A_89, %swap3A_90] {strides = array<i32>} : memref<128x80xf32, #tpu.memory_space<vmem>>, vector<1x16xf32>,
      %swap3A_92 = vector.shape_cast %swap3A_91 : vector<1x16xf32> to vector<16xf32>
      %swap3A_93 = vector.shape_cast %broadcast_in_dim3A_88 : vector<16xf32> to vector<1x16xf32>
      tpu.vector_store %arg13[%swap3A_89, %swap3A_90], %swap3A_93 {strides = array<i32>} : memref<128x80xf32, #tpu.memory_space<vmem>>, vector<1x16xf32>,
      %broadcast_in_dim3A_94 = arith.constant 0.000000e+00 : f32
      %broadcast_in_dim3A_95 = vector.broadcast %broadcast_in_dim3A_94 : f32 to vector<16xf32>
      %swap3A_96 = arith.index_cast %scan3A_80 : i32 to index
      %swap3A_97 = arith.constant 32 : index
      %swap3A_98 = tpu.vector_load %arg13[%swap3A_96, %swap3A_97] {strides = array<i32>} : memref<128x80xf32, #tpu.memory_space<vmem>>, vector<1x16xf32>,
      %swap3A_99 = vector.shape_cast %swap3A_98 : vector<1x16xf32> to vector<16xf32>
      %swap3A_100 = vector.shape_cast %broadcast_in_dim3A_95 : vector<16xf32> to vector<1x16xf32>
      tpu.vector_store %arg13[%swap3A_96, %swap3A_97], %swap3A_100 {strides = array<i32>} : memref<128x80xf32, #tpu.memory_space<vmem>>, vector<1x16xf32>,
      %broadcast_in_dim3A_101 = arith.constant 0.000000e+00 : f32
      %broadcast_in_dim3A_102 = vector.broadcast %broadcast_in_dim3A_101 : f32 to vector<16xf32>
      %swap3A_103 = arith.index_cast %scan3A_80 : i32 to index
      %swap3A_104 = arith.constant 48 : index
      %swap3A_105 = tpu.vector_load %arg13[%swap3A_103, %swap3A_104] {strides = array<i32>} : memref<128x80xf32, #tpu.memory_space<vmem>>, vector<1x16xf32>,
      %swap3A_106 = vector.shape_cast %swap3A_105 : vector<1x16xf32> to vector<16xf32>
      %swap3A_107 = vector.shape_cast %broadcast_in_dim3A_102 : vector<16xf32> to vector<1x16xf32>
      tpu.vector_store %arg13[%swap3A_103, %swap3A_104], %swap3A_107 {strides = array<i32>} : memref<128x80xf32, #tpu.memory_space<vmem>>, vector<1x16xf32>,
      %broadcast_in_dim3A_108 = arith.constant 0.000000e+00 : f32
      %broadcast_in_dim3A_109 = vector.broadcast %broadcast_in_dim3A_108 : f32 to vector<16xf32>
      %swap3A_110 = arith.index_cast %scan3A_80 : i32 to index
      %swap3A_111 = arith.constant 64 : index
      %swap3A_112 = tpu.vector_load %arg13[%swap3A_110, %swap3A_111] {strides = array<i32>} : memref<128x80xf32, #tpu.memory_space<vmem>>, vector<1x16xf32>,
      %swap3A_113 = vector.shape_cast %swap3A_112 : vector<1x16xf32> to vector<16xf32>
      %swap3A_114 = vector.shape_cast %broadcast_in_dim3A_109 : vector<16xf32> to vector<1x16xf32>
      tpu.vector_store %arg13[%swap3A_110, %swap3A_111], %swap3A_114 {strides = array<i32>} : memref<128x80xf32, #tpu.memory_space<vmem>>, vector<1x16xf32>,
      %scan3A_115 = arith.constant 0 : i32
      scf.yield %scan3A_115 : i32
    }
    %scan3A_6 = arith.constant 128 : i32
    %mul3A_7 = arith.constant 640 : i32
    %mul3A_8 = arith.muli %arg1, %mul3A_7 : i32
    %add3A_9 = arith.constant 0 : i32
    %add3A_10 = arith.addi %mul3A_8, %add3A_9 : i32
    %multiple_of3A = tpu.assume_multiple %add3A_10, 8 : i32
    "tpu.region"() ({
      %run_scoped3A_80 = tpu.sem_alloc : memref<!tpu.dma_semaphore, #tpu.memory_space<semaphore_mem>>
      %dma_start3A = arith.constant 0 : i32
      %dma_start3A_81 = tpu.memref_slice %arg14[%multiple_of3A, %dma_start3A] : memref<10240x80xf32, #tpu.memory_space<vmem_shared>> -> memref<128x80xf32, #tpu.memory_space<vmem_shared>>
      %dma_start3A_82 = arith.constant 0 : i32
      %dma_start3A_83 = tpu.memref_slice %arg14[%multiple_of3A, %dma_start3A_82] : memref<10240x80xf32, #tpu.memory_space<vmem_shared>> -> memref<128x80xf32, #tpu.memory_space<vmem_shared>>
      tpu.enqueue_dma source(%arg13 : memref<128x80xf32, #tpu.memory_space<vmem>>) target(%dma_start3A_83 : memref<128x80xf32, #tpu.memory_space<vmem_shared>>) target_semaphore(%run_scoped3A_80 : memref<!tpu.dma_semaphore, #tpu.memory_space<semaphore_mem>>)
      %dma_wait3A = arith.constant 0 : i32
      %dma_wait3A_84 = tpu.memref_slice %arg14[%multiple_of3A, %dma_wait3A] : memref<10240x80xf32, #tpu.memory_space<vmem_shared>> -> memref<128x80xf32, #tpu.memory_space<vmem_shared>>
      %dma_wait3A_85 = arith.constant 0 : i32
      %dma_wait3A_86 = tpu.memref_slice %arg14[%multiple_of3A, %dma_wait3A_85] : memref<10240x80xf32, #tpu.memory_space<vmem_shared>> -> memref<128x80xf32, #tpu.memory_space<vmem_shared>>
      tpu.wait_dma2 semaphore(%run_scoped3A_80 : memref<!tpu.dma_semaphore, #tpu.memory_space<semaphore_mem>>) src(%arg13 : memref<128x80xf32, #tpu.memory_space<vmem>>) dst(%dma_wait3A_86 : memref<128x80xf32, #tpu.memory_space<vmem_shared>>)
      tpu.yield
    }) : () -> ()
    %mul3A_11 = arith.constant 640 : i32
    %mul3A_12 = arith.muli %arg1, %mul3A_11 : i32
    %add3A_13 = arith.constant 128 : i32
    %add3A_14 = arith.addi %mul3A_12, %add3A_13 : i32
    %multiple_of3A_15 = tpu.assume_multiple %add3A_14, 8 : i32
    "tpu.region"() ({
      %run_scoped3A_80 = tpu.sem_alloc : memref<!tpu.dma_semaphore, #tpu.memory_space<semaphore_mem>>
      %dma_start3A = arith.constant 0 : i32
      %dma_start3A_81 = tpu.memref_slice %arg14[%multiple_of3A_15, %dma_start3A] : memref<10240x80xf32, #tpu.memory_space<vmem_shared>> -> memref<128x80xf32, #tpu.memory_space<vmem_shared>>
      %dma_start3A_82 = arith.constant 0 : i32
      %dma_start3A_83 = tpu.memref_slice %arg14[%multiple_of3A_15, %dma_start3A_82] : memref<10240x80xf32, #tpu.memory_space<vmem_shared>> -> memref<128x80xf32, #tpu.memory_space<vmem_shared>>
      tpu.enqueue_dma source(%arg13 : memref<128x80xf32, #tpu.memory_space<vmem>>) target(%dma_start3A_83 : memref<128x80xf32, #tpu.memory_space<vmem_shared>>) target_semaphore(%run_scoped3A_80 : memref<!tpu.dma_semaphore, #tpu.memory_space<semaphore_mem>>)
      %dma_wait3A = arith.constant 0 : i32
      %dma_wait3A_84 = tpu.memref_slice %arg14[%multiple_of3A_15, %dma_wait3A] : memref<10240x80xf32, #tpu.memory_space<vmem_shared>> -> memref<128x80xf32, #tpu.memory_space<vmem_shared>>
      %dma_wait3A_85 = arith.constant 0 : i32
      %dma_wait3A_86 = tpu.memref_slice %arg14[%multiple_of3A_15, %dma_wait3A_85] : memref<10240x80xf32, #tpu.memory_space<vmem_shared>> -> memref<128x80xf32, #tpu.memory_space<vmem_shared>>
      tpu.wait_dma2 semaphore(%run_scoped3A_80 : memref<!tpu.dma_semaphore, #tpu.memory_space<semaphore_mem>>) src(%arg13 : memref<128x80xf32, #tpu.memory_space<vmem>>) dst(%dma_wait3A_86 : memref<128x80xf32, #tpu.memory_space<vmem_shared>>)
      tpu.yield
    }) : () -> ()
    %mul3A_16 = arith.constant 640 : i32
    %mul3A_17 = arith.muli %arg1, %mul3A_16 : i32
    %add3A_18 = arith.constant 256 : i32
    %add3A_19 = arith.addi %mul3A_17, %add3A_18 : i32
    %multiple_of3A_20 = tpu.assume_multiple %add3A_19, 8 : i32
    "tpu.region"() ({
      %run_scoped3A_80 = tpu.sem_alloc : memref<!tpu.dma_semaphore, #tpu.memory_space<semaphore_mem>>
      %dma_start3A = arith.constant 0 : i32
      %dma_start3A_81 = tpu.memref_slice %arg14[%multiple_of3A_20, %dma_start3A] : memref<10240x80xf32, #tpu.memory_space<vmem_shared>> -> memref<128x80xf32, #tpu.memory_space<vmem_shared>>
      %dma_start3A_82 = arith.constant 0 : i32
      %dma_start3A_83 = tpu.memref_slice %arg14[%multiple_of3A_20, %dma_start3A_82] : memref<10240x80xf32, #tpu.memory_space<vmem_shared>> -> memref<128x80xf32, #tpu.memory_space<vmem_shared>>
      tpu.enqueue_dma source(%arg13 : memref<128x80xf32, #tpu.memory_space<vmem>>) target(%dma_start3A_83 : memref<128x80xf32, #tpu.memory_space<vmem_shared>>) target_semaphore(%run_scoped3A_80 : memref<!tpu.dma_semaphore, #tpu.memory_space<semaphore_mem>>)
      %dma_wait3A = arith.constant 0 : i32
      %dma_wait3A_84 = tpu.memref_slice %arg14[%multiple_of3A_20, %dma_wait3A] : memref<10240x80xf32, #tpu.memory_space<vmem_shared>> -> memref<128x80xf32, #tpu.memory_space<vmem_shared>>
      %dma_wait3A_85 = arith.constant 0 : i32
      %dma_wait3A_86 = tpu.memref_slice %arg14[%multiple_of3A_20, %dma_wait3A_85] : memref<10240x80xf32, #tpu.memory_space<vmem_shared>> -> memref<128x80xf32, #tpu.memory_space<vmem_shared>>
      tpu.wait_dma2 semaphore(%run_scoped3A_80 : memref<!tpu.dma_semaphore, #tpu.memory_space<semaphore_mem>>) src(%arg13 : memref<128x80xf32, #tpu.memory_space<vmem>>) dst(%dma_wait3A_86 : memref<128x80xf32, #tpu.memory_space<vmem_shared>>)
      tpu.yield
    }) : () -> ()
    %mul3A_21 = arith.constant 640 : i32
    %mul3A_22 = arith.muli %arg1, %mul3A_21 : i32
    %add3A_23 = arith.constant 384 : i32
    %add3A_24 = arith.addi %mul3A_22, %add3A_23 : i32
    %multiple_of3A_25 = tpu.assume_multiple %add3A_24, 8 : i32
    "tpu.region"() ({
      %run_scoped3A_80 = tpu.sem_alloc : memref<!tpu.dma_semaphore, #tpu.memory_space<semaphore_mem>>
      %dma_start3A = arith.constant 0 : i32
      %dma_start3A_81 = tpu.memref_slice %arg14[%multiple_of3A_25, %dma_start3A] : memref<10240x80xf32, #tpu.memory_space<vmem_shared>> -> memref<128x80xf32, #tpu.memory_space<vmem_shared>>
      %dma_start3A_82 = arith.constant 0 : i32
      %dma_start3A_83 = tpu.memref_slice %arg14[%multiple_of3A_25, %dma_start3A_82] : memref<10240x80xf32, #tpu.memory_space<vmem_shared>> -> memref<128x80xf32, #tpu.memory_space<vmem_shared>>
      tpu.enqueue_dma source(%arg13 : memref<128x80xf32, #tpu.memory_space<vmem>>) target(%dma_start3A_83 : memref<128x80xf32, #tpu.memory_space<vmem_shared>>) target_semaphore(%run_scoped3A_80 : memref<!tpu.dma_semaphore, #tpu.memory_space<semaphore_mem>>)
      %dma_wait3A = arith.constant 0 : i32
      %dma_wait3A_84 = tpu.memref_slice %arg14[%multiple_of3A_25, %dma_wait3A] : memref<10240x80xf32, #tpu.memory_space<vmem_shared>> -> memref<128x80xf32, #tpu.memory_space<vmem_shared>>
      %dma_wait3A_85 = arith.constant 0 : i32
      %dma_wait3A_86 = tpu.memref_slice %arg14[%multiple_of3A_25, %dma_wait3A_85] : memref<10240x80xf32, #tpu.memory_space<vmem_shared>> -> memref<128x80xf32, #tpu.memory_space<vmem_shared>>
      tpu.wait_dma2 semaphore(%run_scoped3A_80 : memref<!tpu.dma_semaphore, #tpu.memory_space<semaphore_mem>>) src(%arg13 : memref<128x80xf32, #tpu.memory_space<vmem>>) dst(%dma_wait3A_86 : memref<128x80xf32, #tpu.memory_space<vmem_shared>>)
      tpu.yield
    }) : () -> ()
    %mul3A_26 = arith.constant 640 : i32
    %mul3A_27 = arith.muli %arg1, %mul3A_26 : i32
    %add3A_28 = arith.constant 512 : i32
    %add3A_29 = arith.addi %mul3A_27, %add3A_28 : i32
    %multiple_of3A_30 = tpu.assume_multiple %add3A_29, 8 : i32
    "tpu.region"() ({
      %run_scoped3A_80 = tpu.sem_alloc : memref<!tpu.dma_semaphore, #tpu.memory_space<semaphore_mem>>
      %dma_start3A = arith.constant 0 : i32
      %dma_start3A_81 = tpu.memref_slice %arg14[%multiple_of3A_30, %dma_start3A] : memref<10240x80xf32, #tpu.memory_space<vmem_shared>> -> memref<128x80xf32, #tpu.memory_space<vmem_shared>>
      %dma_start3A_82 = arith.constant 0 : i32
      %dma_start3A_83 = tpu.memref_slice %arg14[%multiple_of3A_30, %dma_start3A_82] : memref<10240x80xf32, #tpu.memory_space<vmem_shared>> -> memref<128x80xf32, #tpu.memory_space<vmem_shared>>
      tpu.enqueue_dma source(%arg13 : memref<128x80xf32, #tpu.memory_space<vmem>>) target(%dma_start3A_83 : memref<128x80xf32, #tpu.memory_space<vmem_shared>>) target_semaphore(%run_scoped3A_80 : memref<!tpu.dma_semaphore, #tpu.memory_space<semaphore_mem>>)
      %dma_wait3A = arith.constant 0 : i32
      %dma_wait3A_84 = tpu.memref_slice %arg14[%multiple_of3A_30, %dma_wait3A] : memref<10240x80xf32, #tpu.memory_space<vmem_shared>> -> memref<128x80xf32, #tpu.memory_space<vmem_shared>>
      %dma_wait3A_85 = arith.constant 0 : i32
      %dma_wait3A_86 = tpu.memref_slice %arg14[%multiple_of3A_30, %dma_wait3A_85] : memref<10240x80xf32, #tpu.memory_space<vmem_shared>> -> memref<128x80xf32, #tpu.memory_space<vmem_shared>>
      tpu.wait_dma2 semaphore(%run_scoped3A_80 : memref<!tpu.dma_semaphore, #tpu.memory_space<semaphore_mem>>) src(%arg13 : memref<128x80xf32, #tpu.memory_space<vmem>>) dst(%dma_wait3A_86 : memref<128x80xf32, #tpu.memory_space<vmem_shared>>)
      tpu.yield
    }) : () -> ()
    %barrier3A = arith.constant 0 : index
    tpu.barrier barrier_id(%barrier3A)
    %scan3A_31 = arith.constant 0 : i32
    %scan3A_32 = arith.constant 0 : i32
    %scan3A_33 = arith.constant 125 : i32
    %scan3A_34 = arith.addi %scan3A_32, %scan3A_33 : i32
    %scan3A_35 = arith.constant 1 : i32
    %scan3A_36 = scf.for %scan3A_80 = %scan3A_32 to %scan3A_34 step %scan3A_35 iter_args(%scan3A_81 = %scan3A_31) -> (i32)  : i32 {
      %mul3A_82 = arith.constant 10000 : i32
      %mul3A_83 = arith.muli %add3A, %mul3A_82 : i32
      %mul3A_84 = arith.constant 80 : i32
      %mul3A_85 = arith.muli %scan3A_80, %mul3A_84 : i32
      %add3A_86 = arith.addi %mul3A_83, %mul3A_85 : i32
      %multiple_of3A_87 = tpu.assume_multiple %add3A_86, 8 : i32
      "tpu.region"() ({
        %run_scoped3A_106 = tpu.sem_alloc : memref<!tpu.dma_semaphore, #tpu.memory_space<semaphore_mem>>
        %dma_start3A_107 = tpu.memref_slice %arg5[%multiple_of3A_87] : memref<320000xi32, #tpu.memory_space<hbm>> -> memref<80xi32, #tpu.memory_space<hbm>>
        %dma_start3A_108 = tpu.memref_slice %arg5[%multiple_of3A_87] : memref<320000xi32, #tpu.memory_space<hbm>> -> memref<80xi32, #tpu.memory_space<hbm>>
        tpu.enqueue_dma source(%dma_start3A_108 : memref<80xi32, #tpu.memory_space<hbm>>) target(%arg8 : memref<80xi32, #tpu.memory_space<vmem>>) target_semaphore(%run_scoped3A_106 : memref<!tpu.dma_semaphore, #tpu.memory_space<semaphore_mem>>)
        %dma_wait3A_109 = tpu.memref_slice %arg5[%multiple_of3A_87] : memref<320000xi32, #tpu.memory_space<hbm>> -> memref<80xi32, #tpu.memory_space<hbm>>
        %dma_wait3A_110 = tpu.memref_slice %arg5[%multiple_of3A_87] : memref<320000xi32, #tpu.memory_space<hbm>> -> memref<80xi32, #tpu.memory_space<hbm>>
        tpu.wait_dma2 semaphore(%run_scoped3A_106 : memref<!tpu.dma_semaphore, #tpu.memory_space<semaphore_mem>>) src(%dma_wait3A_110 : memref<80xi32, #tpu.memory_space<hbm>>) dst(%arg8 : memref<80xi32, #tpu.memory_space<vmem>>)
        tpu.yield
      }) : () -> ()
      "tpu.region"() ({
        %run_scoped3A_106 = tpu.sem_alloc : memref<!tpu.dma_semaphore, #tpu.memory_space<semaphore_mem>>
        %dma_start3A_107 = tpu.memref_slice %arg6[%multiple_of3A_87] : memref<320000xi32, #tpu.memory_space<hbm>> -> memref<80xi32, #tpu.memory_space<hbm>>
        %dma_start3A_108 = tpu.memref_slice %arg6[%multiple_of3A_87] : memref<320000xi32, #tpu.memory_space<hbm>> -> memref<80xi32, #tpu.memory_space<hbm>>
        tpu.enqueue_dma source(%dma_start3A_108 : memref<80xi32, #tpu.memory_space<hbm>>) target(%arg9 : memref<80xi32, #tpu.memory_space<vmem>>) target_semaphore(%run_scoped3A_106 : memref<!tpu.dma_semaphore, #tpu.memory_space<semaphore_mem>>)
        %dma_wait3A_109 = tpu.memref_slice %arg6[%multiple_of3A_87] : memref<320000xi32, #tpu.memory_space<hbm>> -> memref<80xi32, #tpu.memory_space<hbm>>
        %dma_wait3A_110 = tpu.memref_slice %arg6[%multiple_of3A_87] : memref<320000xi32, #tpu.memory_space<hbm>> -> memref<80xi32, #tpu.memory_space<hbm>>
        tpu.wait_dma2 semaphore(%run_scoped3A_106 : memref<!tpu.dma_semaphore, #tpu.memory_space<semaphore_mem>>) src(%dma_wait3A_110 : memref<80xi32, #tpu.memory_space<hbm>>) dst(%arg9 : memref<80xi32, #tpu.memory_space<vmem>>)
        tpu.yield
      }) : () -> ()
      %dma_start3A = arith.constant 0 : i32
      %dma_start3A_88 = arith.constant 0 : i32
      %dma_start3A_89 = tpu.memref_slice %arg2[%dma_start3A, %dma_start3A_88] : memref<10000x80xf32, #tpu.memory_space<hbm>> -> memref<10000x80xf32, #tpu.memory_space<hbm>>
      tpu.enqueue_indirect_dma source(%dma_start3A_89 : memref<10000x80xf32, #tpu.memory_space<hbm>>) target(%arg10 : memref<80x80xf32, #tpu.memory_space<vmem>>) offsets(%arg8 : memref<80xi32, #tpu.memory_space<vmem>>) semaphore(%arg15 : memref<!tpu.dma_semaphore, #tpu.memory_space<semaphore_mem>>)
      %dma_start3A_90 = arith.constant 0 : i32
      %dma_start3A_91 = arith.constant 0 : i32
      %dma_start3A_92 = tpu.memref_slice %arg4[%dma_start3A_90, %dma_start3A_91] : memref<10000x16xf32, #tpu.memory_space<hbm>> -> memref<10000x16xf32, #tpu.memory_space<hbm>>
      tpu.enqueue_indirect_dma source(%dma_start3A_92 : memref<10000x16xf32, #tpu.memory_space<hbm>>) target(%arg11 : memref<80x16xf32, #tpu.memory_space<vmem>>) offsets(%arg9 : memref<80xi32, #tpu.memory_space<vmem>>) semaphore(%arg16 : memref<!tpu.dma_semaphore, #tpu.memory_space<semaphore_mem>>)
      %dma_wait3A = arith.constant 0 : i32
      %dma_wait3A_93 = arith.constant 0 : i32
      %dma_wait3A_94 = tpu.memref_slice %arg2[%dma_wait3A, %dma_wait3A_93] : memref<10000x80xf32, #tpu.memory_space<hbm>> -> memref<10000x80xf32, #tpu.memory_space<hbm>>
      tpu.wait_indirect_dma semaphore(%arg15 : memref<!tpu.dma_semaphore, #tpu.memory_space<semaphore_mem>>) src(%dma_wait3A_94 : memref<10000x80xf32, #tpu.memory_space<hbm>>) dst(%arg10 : memref<80x80xf32, #tpu.memory_space<vmem>>)
      %dma_wait3A_95 = arith.constant 0 : i32
      %dma_wait3A_96 = arith.constant 0 : i32
      %dma_wait3A_97 = tpu.memref_slice %arg4[%dma_wait3A_95, %dma_wait3A_96] : memref<10000x16xf32, #tpu.memory_space<hbm>> -> memref<10000x16xf32, #tpu.memory_space<hbm>>
      tpu.wait_indirect_dma semaphore(%arg16 : memref<!tpu.dma_semaphore, #tpu.memory_space<semaphore_mem>>) src(%dma_wait3A_97 : memref<10000x16xf32, #tpu.memory_space<hbm>>) dst(%arg11 : memref<80x16xf32, #tpu.memory_space<vmem>>)
      %scan3A_98 = arith.constant 0 : i32
      %scan3A_99 = arith.constant 0 : i32
      %scan3A_100 = arith.constant 80 : i32
      %scan3A_101 = arith.addi %scan3A_99, %scan3A_100 : i32
      %scan3A_102 = arith.constant 1 : i32
      %scan3A_103 = scf.for %scan3A_106 = %scan3A_99 to %scan3A_101 step %scan3A_102 iter_args(%scan3A_107 = %scan3A_98) -> (i32)  : i32 {
        %get3A = arith.index_cast %scan3A_106 : i32 to index
        %get3A_108 = arith.constant 64 : index
        %get3A_109 = tpu.vector_load %arg10[%get3A, %get3A_108] {strides = array<i32>} : memref<80x80xf32, #tpu.memory_space<vmem>>, vector<1x16xf32>,
        %get3A_110 = vector.shape_cast %get3A_109 : vector<1x16xf32> to vector<16xf32>
        %get3A_111 = arith.index_cast %scan3A_106 : i32 to index
        %get3A_112 = arith.constant 0 : index
        %get3A_113 = tpu.vector_load %arg11[%get3A_111, %get3A_112] {strides = array<i32>} : memref<80x16xf32, #tpu.memory_space<vmem>>, vector<1x16xf32>,
        %get3A_114 = vector.shape_cast %get3A_113 : vector<1x16xf32> to vector<16xf32>
        %add3A_115 = arith.addf %get3A_110, %get3A_114 : vector<16xf32>
        %mul3A_116 = arith.constant 2.000000e-01 : f32
        %mul3A_117 = vector.broadcast %mul3A_116 : f32 to vector<16xf32>
        %mul3A_118 = arith.mulf %mul3A_117, %add3A_115 : vector<16xf32>
        %max3A = arith.maximumf %add3A_115, %mul3A_118 : vector<16xf32>
        %exp3A = math.exp %max3A : vector<16xf32>
        %swap3A = arith.index_cast %scan3A_106 : i32 to index
        %swap3A_119 = arith.constant 64 : index
        %swap3A_120 = tpu.vector_load %arg12[%swap3A, %swap3A_119] {strides = array<i32>} : memref<80x80xf32, #tpu.memory_space<vmem>>, vector<1x16xf32>,
        %swap3A_121 = vector.shape_cast %swap3A_120 : vector<1x16xf32> to vector<16xf32>
        %swap3A_122 = vector.shape_cast %exp3A : vector<16xf32> to vector<1x16xf32>
        tpu.vector_store %arg12[%swap3A, %swap3A_119], %swap3A_122 {strides = array<i32>} : memref<80x80xf32, #tpu.memory_space<vmem>>, vector<1x16xf32>,
        %slice3A = vector.extract_strided_slice %exp3A {offsets = [0], sizes = [1], strides = [1]} : vector<16xf32> to vector<1xf32>
        %squeeze3A = vector.extract %slice3A[0] : f32 from vector<1xf32>
        %get3A_123 = arith.index_cast %scan3A_106 : i32 to index
        %get3A_124 = arith.constant 0 : index
        %get3A_125 = tpu.vector_load %arg10[%get3A_123, %get3A_124] {strides = array<i32>} : memref<80x80xf32, #tpu.memory_space<vmem>>, vector<1x16xf32>,
        %get3A_126 = vector.shape_cast %get3A_125 : vector<1x16xf32> to vector<16xf32>
        %mul3A_127 = vector.broadcast %squeeze3A : f32 to vector<16xf32>
        %mul3A_128 = arith.mulf %get3A_126, %mul3A_127 : vector<16xf32>
        %swap3A_129 = arith.index_cast %scan3A_106 : i32 to index
        %swap3A_130 = arith.constant 0 : index
        %swap3A_131 = tpu.vector_load %arg12[%swap3A_129, %swap3A_130] {strides = array<i32>} : memref<80x80xf32, #tpu.memory_space<vmem>>, vector<1x16xf32>,
        %swap3A_132 = vector.shape_cast %swap3A_131 : vector<1x16xf32> to vector<16xf32>
        %swap3A_133 = vector.shape_cast %mul3A_128 : vector<16xf32> to vector<1x16xf32>
        tpu.vector_store %arg12[%swap3A_129, %swap3A_130], %swap3A_133 {strides = array<i32>} : memref<80x80xf32, #tpu.memory_space<vmem>>, vector<1x16xf32>,
        %slice3A_134 = vector.extract_strided_slice %exp3A {offsets = [1], sizes = [1], strides = [1]} : vector<16xf32> to vector<1xf32>
        %squeeze3A_135 = vector.extract %slice3A_134[0] : f32 from vector<1xf32>
        %get3A_136 = arith.index_cast %scan3A_106 : i32 to index
        %get3A_137 = arith.constant 16 : index
        %get3A_138 = tpu.vector_load %arg10[%get3A_136, %get3A_137] {strides = array<i32>} : memref<80x80xf32, #tpu.memory_space<vmem>>, vector<1x16xf32>,
        %get3A_139 = vector.shape_cast %get3A_138 : vector<1x16xf32> to vector<16xf32>
        %mul3A_140 = vector.broadcast %squeeze3A_135 : f32 to vector<16xf32>
        %mul3A_141 = arith.mulf %get3A_139, %mul3A_140 : vector<16xf32>
        %swap3A_142 = arith.index_cast %scan3A_106 : i32 to index
        %swap3A_143 = arith.constant 16 : index
        %swap3A_144 = tpu.vector_load %arg12[%swap3A_142, %swap3A_143] {strides = array<i32>} : memref<80x80xf32, #tpu.memory_space<vmem>>, vector<1x16xf32>,
        %swap3A_145 = vector.shape_cast %swap3A_144 : vector<1x16xf32> to vector<16xf32>
        %swap3A_146 = vector.shape_cast %mul3A_141 : vector<16xf32> to vector<1x16xf32>
        tpu.vector_store %arg12[%swap3A_142, %swap3A_143], %swap3A_146 {strides = array<i32>} : memref<80x80xf32, #tpu.memory_space<vmem>>, vector<1x16xf32>,
        %slice3A_147 = vector.extract_strided_slice %exp3A {offsets = [2], sizes = [1], strides = [1]} : vector<16xf32> to vector<1xf32>
        %squeeze3A_148 = vector.extract %slice3A_147[0] : f32 from vector<1xf32>
        %get3A_149 = arith.index_cast %scan3A_106 : i32 to index
        %get3A_150 = arith.constant 32 : index
        %get3A_151 = tpu.vector_load %arg10[%get3A_149, %get3A_150] {strides = array<i32>} : memref<80x80xf32, #tpu.memory_space<vmem>>, vector<1x16xf32>,
        %get3A_152 = vector.shape_cast %get3A_151 : vector<1x16xf32> to vector<16xf32>
        %mul3A_153 = vector.broadcast %squeeze3A_148 : f32 to vector<16xf32>
        %mul3A_154 = arith.mulf %get3A_152, %mul3A_153 : vector<16xf32>
        %swap3A_155 = arith.index_cast %scan3A_106 : i32 to index
        %swap3A_156 = arith.constant 32 : index
        %swap3A_157 = tpu.vector_load %arg12[%swap3A_155, %swap3A_156] {strides = array<i32>} : memref<80x80xf32, #tpu.memory_space<vmem>>, vector<1x16xf32>,
        %swap3A_158 = vector.shape_cast %swap3A_157 : vector<1x16xf32> to vector<16xf32>
        %swap3A_159 = vector.shape_cast %mul3A_154 : vector<16xf32> to vector<1x16xf32>
        tpu.vector_store %arg12[%swap3A_155, %swap3A_156], %swap3A_159 {strides = array<i32>} : memref<80x80xf32, #tpu.memory_space<vmem>>, vector<1x16xf32>,
        %slice3A_160 = vector.extract_strided_slice %exp3A {offsets = [3], sizes = [1], strides = [1]} : vector<16xf32> to vector<1xf32>
        %squeeze3A_161 = vector.extract %slice3A_160[0] : f32 from vector<1xf32>
        %get3A_162 = arith.index_cast %scan3A_106 : i32 to index
        %get3A_163 = arith.constant 48 : index
        %get3A_164 = tpu.vector_load %arg10[%get3A_162, %get3A_163] {strides = array<i32>} : memref<80x80xf32, #tpu.memory_space<vmem>>, vector<1x16xf32>,
        %get3A_165 = vector.shape_cast %get3A_164 : vector<1x16xf32> to vector<16xf32>
        %mul3A_166 = vector.broadcast %squeeze3A_161 : f32 to vector<16xf32>
        %mul3A_167 = arith.mulf %get3A_165, %mul3A_166 : vector<16xf32>
        %swap3A_168 = arith.index_cast %scan3A_106 : i32 to index
        %swap3A_169 = arith.constant 48 : index
        %swap3A_170 = tpu.vector_load %arg12[%swap3A_168, %swap3A_169] {strides = array<i32>} : memref<80x80xf32, #tpu.memory_space<vmem>>, vector<1x16xf32>,
        %swap3A_171 = vector.shape_cast %swap3A_170 : vector<1x16xf32> to vector<16xf32>
        %swap3A_172 = vector.shape_cast %mul3A_167 : vector<16xf32> to vector<1x16xf32>
        tpu.vector_store %arg12[%swap3A_168, %swap3A_169], %swap3A_172 {strides = array<i32>} : memref<80x80xf32, #tpu.memory_space<vmem>>, vector<1x16xf32>,
        %scan3A_173 = arith.constant 0 : i32
        scf.yield %scan3A_173 : i32
      }
      %scan3A_104 = arith.constant 80 : i32
      "tpu.region"() ({
        %run_scoped3A_106 = tpu.sem_alloc : memref<!tpu.dma_semaphore, #tpu.memory_space<semaphore_mem>>
        %dma_start3A_107 = arith.constant 0 : i32
        %dma_start3A_108 = arith.constant 0 : i32
        %dma_start3A_109 = tpu.memref_slice %arg14[%dma_start3A_107, %dma_start3A_108] : memref<10240x80xf32, #tpu.memory_space<vmem_shared>> -> memref<10240x80xf32, #tpu.memory_space<vmem_shared>>
        tpu.enqueue_indirect_dma source(%arg12 : memref<80x80xf32, #tpu.memory_space<vmem>>) target(%dma_start3A_109 : memref<10240x80xf32, #tpu.memory_space<vmem_shared>>) offsets(%arg9 : memref<80xi32, #tpu.memory_space<vmem>>) semaphore(%run_scoped3A_106 : memref<!tpu.dma_semaphore, #tpu.memory_space<semaphore_mem>>) {add = true}
        %dma_wait3A_110 = arith.constant 0 : i32
        %dma_wait3A_111 = arith.constant 0 : i32
        %dma_wait3A_112 = tpu.memref_slice %arg14[%dma_wait3A_110, %dma_wait3A_111] : memref<10240x80xf32, #tpu.memory_space<vmem_shared>> -> memref<10240x80xf32, #tpu.memory_space<vmem_shared>>
        tpu.wait_indirect_dma semaphore(%run_scoped3A_106 : memref<!tpu.dma_semaphore, #tpu.memory_space<semaphore_mem>>) src(%arg12 : memref<80x80xf32, #tpu.memory_space<vmem>>) dst(%dma_wait3A_112 : memref<10240x80xf32, #tpu.memory_space<vmem_shared>>)
        tpu.yield
      }) : () -> ()
      %scan3A_105 = arith.constant 0 : i32
      scf.yield %scan3A_105 : i32
    }
    %scan3A_37 = arith.constant 125 : i32
    %barrier3A_38 = arith.constant 0 : index
    tpu.barrier barrier_id(%barrier3A_38)
    %mul3A_39 = arith.constant 640 : i32
    %mul3A_40 = arith.muli %arg1, %mul3A_39 : i32
    %multiple_of3A_41 = tpu.assume_multiple %mul3A_40, 8 : i32
    %run_scoped3A = arith.constant 0 : i32
    "tpu.region"() ({
      %run_scoped3A_80 = tpu.sem_alloc : memref<!tpu.dma_semaphore, #tpu.memory_space<semaphore_mem>>
      %dma_start3A = arith.constant 0 : i32
      %dma_start3A_81 = tpu.memref_slice %arg7[%run_scoped3A, %arg0, %multiple_of3A_41, %dma_start3A] : memref<2x2x10240x80xf32, #tpu.memory_space<hbm>> -> memref<1x1x640x80xf32, #tpu.memory_space<hbm>>
      %dma_start3A_82 = tpu.memref_squeeze %dma_start3A_81 : memref<1x1x640x80xf32, #tpu.memory_space<hbm>> -> memref<640x80xf32, #tpu.memory_space<hbm>>
      %dma_start3A_83 = arith.constant 0 : i32
      %dma_start3A_84 = tpu.memref_slice %arg14[%multiple_of3A_41, %dma_start3A_83] : memref<10240x80xf32, #tpu.memory_space<vmem_shared>> -> memref<640x80xf32, #tpu.memory_space<vmem_shared>>
      tpu.enqueue_dma source(%dma_start3A_84 : memref<640x80xf32, #tpu.memory_space<vmem_shared>>) target(%dma_start3A_82 : memref<640x80xf32, #tpu.memory_space<hbm>>) target_semaphore(%run_scoped3A_80 : memref<!tpu.dma_semaphore, #tpu.memory_space<semaphore_mem>>)
      %dma_wait3A = arith.constant 0 : i32
      %dma_wait3A_85 = tpu.memref_slice %arg7[%run_scoped3A, %arg0, %multiple_of3A_41, %dma_wait3A] : memref<2x2x10240x80xf32, #tpu.memory_space<hbm>> -> memref<1x1x640x80xf32, #tpu.memory_space<hbm>>
      %dma_wait3A_86 = tpu.memref_squeeze %dma_wait3A_85 : memref<1x1x640x80xf32, #tpu.memory_space<hbm>> -> memref<640x80xf32, #tpu.memory_space<hbm>>
      %dma_wait3A_87 = arith.constant 0 : i32
      %dma_wait3A_88 = tpu.memref_slice %arg14[%multiple_of3A_41, %dma_wait3A_87] : memref<10240x80xf32, #tpu.memory_space<vmem_shared>> -> memref<640x80xf32, #tpu.memory_space<vmem_shared>>
      tpu.wait_dma2 semaphore(%run_scoped3A_80 : memref<!tpu.dma_semaphore, #tpu.memory_space<semaphore_mem>>) src(%dma_wait3A_88 : memref<640x80xf32, #tpu.memory_space<vmem_shared>>) dst(%dma_wait3A_86 : memref<640x80xf32, #tpu.memory_space<hbm>>)
      tpu.yield
    }) : () -> ()
    %mul3A_42 = arith.constant 640 : i32
    %mul3A_43 = arith.muli %arg1, %mul3A_42 : i32
    %add3A_44 = arith.constant 0 : i32
    %add3A_45 = arith.addi %mul3A_43, %add3A_44 : i32
    %multiple_of3A_46 = tpu.assume_multiple %add3A_45, 8 : i32
    "tpu.region"() ({
      %run_scoped3A_80 = tpu.sem_alloc : memref<!tpu.dma_semaphore, #tpu.memory_space<semaphore_mem>>
      %dma_start3A = arith.constant 0 : i32
      %dma_start3A_81 = tpu.memref_slice %arg14[%multiple_of3A_46, %dma_start3A] : memref<10240x80xf32, #tpu.memory_space<vmem_shared>> -> memref<128x80xf32, #tpu.memory_space<vmem_shared>>
      %dma_start3A_82 = arith.constant 0 : i32
      %dma_start3A_83 = tpu.memref_slice %arg14[%multiple_of3A_46, %dma_start3A_82] : memref<10240x80xf32, #tpu.memory_space<vmem_shared>> -> memref<128x80xf32, #tpu.memory_space<vmem_shared>>
      tpu.enqueue_dma source(%arg13 : memref<128x80xf32, #tpu.memory_space<vmem>>) target(%dma_start3A_83 : memref<128x80xf32, #tpu.memory_space<vmem_shared>>) target_semaphore(%run_scoped3A_80 : memref<!tpu.dma_semaphore, #tpu.memory_space<semaphore_mem>>)
      %dma_wait3A = arith.constant 0 : i32
      %dma_wait3A_84 = tpu.memref_slice %arg14[%multiple_of3A_46, %dma_wait3A] : memref<10240x80xf32, #tpu.memory_space<vmem_shared>> -> memref<128x80xf32, #tpu.memory_space<vmem_shared>>
      %dma_wait3A_85 = arith.constant 0 : i32
      %dma_wait3A_86 = tpu.memref_slice %arg14[%multiple_of3A_46, %dma_wait3A_85] : memref<10240x80xf32, #tpu.memory_space<vmem_shared>> -> memref<128x80xf32, #tpu.memory_space<vmem_shared>>
      tpu.wait_dma2 semaphore(%run_scoped3A_80 : memref<!tpu.dma_semaphore, #tpu.memory_space<semaphore_mem>>) src(%arg13 : memref<128x80xf32, #tpu.memory_space<vmem>>) dst(%dma_wait3A_86 : memref<128x80xf32, #tpu.memory_space<vmem_shared>>)
      tpu.yield
    }) : () -> ()
    %mul3A_47 = arith.constant 640 : i32
    %mul3A_48 = arith.muli %arg1, %mul3A_47 : i32
    %add3A_49 = arith.constant 128 : i32
    %add3A_50 = arith.addi %mul3A_48, %add3A_49 : i32
    %multiple_of3A_51 = tpu.assume_multiple %add3A_50, 8 : i32
    "tpu.region"() ({
      %run_scoped3A_80 = tpu.sem_alloc : memref<!tpu.dma_semaphore, #tpu.memory_space<semaphore_mem>>
      %dma_start3A = arith.constant 0 : i32
      %dma_start3A_81 = tpu.memref_slice %arg14[%multiple_of3A_51, %dma_start3A] : memref<10240x80xf32, #tpu.memory_space<vmem_shared>> -> memref<128x80xf32, #tpu.memory_space<vmem_shared>>
      %dma_start3A_82 = arith.constant 0 : i32
      %dma_start3A_83 = tpu.memref_slice %arg14[%multiple_of3A_51, %dma_start3A_82] : memref<10240x80xf32, #tpu.memory_space<vmem_shared>> -> memref<128x80xf32, #tpu.memory_space<vmem_shared>>
      tpu.enqueue_dma source(%arg13 : memref<128x80xf32, #tpu.memory_space<vmem>>) target(%dma_start3A_83 : memref<128x80xf32, #tpu.memory_space<vmem_shared>>) target_semaphore(%run_scoped3A_80 : memref<!tpu.dma_semaphore, #tpu.memory_space<semaphore_mem>>)
      %dma_wait3A = arith.constant 0 : i32
      %dma_wait3A_84 = tpu.memref_slice %arg14[%multiple_of3A_51, %dma_wait3A] : memref<10240x80xf32, #tpu.memory_space<vmem_shared>> -> memref<128x80xf32, #tpu.memory_space<vmem_shared>>
      %dma_wait3A_85 = arith.constant 0 : i32
      %dma_wait3A_86 = tpu.memref_slice %arg14[%multiple_of3A_51, %dma_wait3A_85] : memref<10240x80xf32, #tpu.memory_space<vmem_shared>> -> memref<128x80xf32, #tpu.memory_space<vmem_shared>>
      tpu.wait_dma2 semaphore(%run_scoped3A_80 : memref<!tpu.dma_semaphore, #tpu.memory_space<semaphore_mem>>) src(%arg13 : memref<128x80xf32, #tpu.memory_space<vmem>>) dst(%dma_wait3A_86 : memref<128x80xf32, #tpu.memory_space<vmem_shared>>)
      tpu.yield
    }) : () -> ()
    %mul3A_52 = arith.constant 640 : i32
    %mul3A_53 = arith.muli %arg1, %mul3A_52 : i32
    %add3A_54 = arith.constant 256 : i32
    %add3A_55 = arith.addi %mul3A_53, %add3A_54 : i32
    %multiple_of3A_56 = tpu.assume_multiple %add3A_55, 8 : i32
    "tpu.region"() ({
      %run_scoped3A_80 = tpu.sem_alloc : memref<!tpu.dma_semaphore, #tpu.memory_space<semaphore_mem>>
      %dma_start3A = arith.constant 0 : i32
      %dma_start3A_81 = tpu.memref_slice %arg14[%multiple_of3A_56, %dma_start3A] : memref<10240x80xf32, #tpu.memory_space<vmem_shared>> -> memref<128x80xf32, #tpu.memory_space<vmem_shared>>
      %dma_start3A_82 = arith.constant 0 : i32
      %dma_start3A_83 = tpu.memref_slice %arg14[%multiple_of3A_56, %dma_start3A_82] : memref<10240x80xf32, #tpu.memory_space<vmem_shared>> -> memref<128x80xf32, #tpu.memory_space<vmem_shared>>
      tpu.enqueue_dma source(%arg13 : memref<128x80xf32, #tpu.memory_space<vmem>>) target(%dma_start3A_83 : memref<128x80xf32, #tpu.memory_space<vmem_shared>>) target_semaphore(%run_scoped3A_80 : memref<!tpu.dma_semaphore, #tpu.memory_space<semaphore_mem>>)
      %dma_wait3A = arith.constant 0 : i32
      %dma_wait3A_84 = tpu.memref_slice %arg14[%multiple_of3A_56, %dma_wait3A] : memref<10240x80xf32, #tpu.memory_space<vmem_shared>> -> memref<128x80xf32, #tpu.memory_space<vmem_shared>>
      %dma_wait3A_85 = arith.constant 0 : i32
      %dma_wait3A_86 = tpu.memref_slice %arg14[%multiple_of3A_56, %dma_wait3A_85] : memref<10240x80xf32, #tpu.memory_space<vmem_shared>> -> memref<128x80xf32, #tpu.memory_space<vmem_shared>>
      tpu.wait_dma2 semaphore(%run_scoped3A_80 : memref<!tpu.dma_semaphore, #tpu.memory_space<semaphore_mem>>) src(%arg13 : memref<128x80xf32, #tpu.memory_space<vmem>>) dst(%dma_wait3A_86 : memref<128x80xf32, #tpu.memory_space<vmem_shared>>)
      tpu.yield
    }) : () -> ()
    %mul3A_57 = arith.constant 640 : i32
    %mul3A_58 = arith.muli %arg1, %mul3A_57 : i32
    %add3A_59 = arith.constant 384 : i32
    %add3A_60 = arith.addi %mul3A_58, %add3A_59 : i32
    %multiple_of3A_61 = tpu.assume_multiple %add3A_60, 8 : i32
    "tpu.region"() ({
      %run_scoped3A_80 = tpu.sem_alloc : memref<!tpu.dma_semaphore, #tpu.memory_space<semaphore_mem>>
      %dma_start3A = arith.constant 0 : i32
      %dma_start3A_81 = tpu.memref_slice %arg14[%multiple_of3A_61, %dma_start3A] : memref<10240x80xf32, #tpu.memory_space<vmem_shared>> -> memref<128x80xf32, #tpu.memory_space<vmem_shared>>
      %dma_start3A_82 = arith.constant 0 : i32
      %dma_start3A_83 = tpu.memref_slice %arg14[%multiple_of3A_61, %dma_start3A_82] : memref<10240x80xf32, #tpu.memory_space<vmem_shared>> -> memref<128x80xf32, #tpu.memory_space<vmem_shared>>
      tpu.enqueue_dma source(%arg13 : memref<128x80xf32, #tpu.memory_space<vmem>>) target(%dma_start3A_83 : memref<128x80xf32, #tpu.memory_space<vmem_shared>>) target_semaphore(%run_scoped3A_80 : memref<!tpu.dma_semaphore, #tpu.memory_space<semaphore_mem>>)
      %dma_wait3A = arith.constant 0 : i32
      %dma_wait3A_84 = tpu.memref_slice %arg14[%multiple_of3A_61, %dma_wait3A] : memref<10240x80xf32, #tpu.memory_space<vmem_shared>> -> memref<128x80xf32, #tpu.memory_space<vmem_shared>>
      %dma_wait3A_85 = arith.constant 0 : i32
      %dma_wait3A_86 = tpu.memref_slice %arg14[%multiple_of3A_61, %dma_wait3A_85] : memref<10240x80xf32, #tpu.memory_space<vmem_shared>> -> memref<128x80xf32, #tpu.memory_space<vmem_shared>>
      tpu.wait_dma2 semaphore(%run_scoped3A_80 : memref<!tpu.dma_semaphore, #tpu.memory_space<semaphore_mem>>) src(%arg13 : memref<128x80xf32, #tpu.memory_space<vmem>>) dst(%dma_wait3A_86 : memref<128x80xf32, #tpu.memory_space<vmem_shared>>)
      tpu.yield
    }) : () -> ()
    %mul3A_62 = arith.constant 640 : i32
    %mul3A_63 = arith.muli %arg1, %mul3A_62 : i32
    %add3A_64 = arith.constant 512 : i32
    %add3A_65 = arith.addi %mul3A_63, %add3A_64 : i32
    %multiple_of3A_66 = tpu.assume_multiple %add3A_65, 8 : i32
    "tpu.region"() ({
      %run_scoped3A_80 = tpu.sem_alloc : memref<!tpu.dma_semaphore, #tpu.memory_space<semaphore_mem>>
      %dma_start3A = arith.constant 0 : i32
      %dma_start3A_81 = tpu.memref_slice %arg14[%multiple_of3A_66, %dma_start3A] : memref<10240x80xf32, #tpu.memory_space<vmem_shared>> -> memref<128x80xf32, #tpu.memory_space<vmem_shared>>
      %dma_start3A_82 = arith.constant 0 : i32
      %dma_start3A_83 = tpu.memref_slice %arg14[%multiple_of3A_66, %dma_start3A_82] : memref<10240x80xf32, #tpu.memory_space<vmem_shared>> -> memref<128x80xf32, #tpu.memory_space<vmem_shared>>
      tpu.enqueue_dma source(%arg13 : memref<128x80xf32, #tpu.memory_space<vmem>>) target(%dma_start3A_83 : memref<128x80xf32, #tpu.memory_space<vmem_shared>>) target_semaphore(%run_scoped3A_80 : memref<!tpu.dma_semaphore, #tpu.memory_space<semaphore_mem>>)
      %dma_wait3A = arith.constant 0 : i32
      %dma_wait3A_84 = tpu.memref_slice %arg14[%multiple_of3A_66, %dma_wait3A] : memref<10240x80xf32, #tpu.memory_space<vmem_shared>> -> memref<128x80xf32, #tpu.memory_space<vmem_shared>>
      %dma_wait3A_85 = arith.constant 0 : i32
      %dma_wait3A_86 = tpu.memref_slice %arg14[%multiple_of3A_66, %dma_wait3A_85] : memref<10240x80xf32, #tpu.memory_space<vmem_shared>> -> memref<128x80xf32, #tpu.memory_space<vmem_shared>>
      tpu.wait_dma2 semaphore(%run_scoped3A_80 : memref<!tpu.dma_semaphore, #tpu.memory_space<semaphore_mem>>) src(%arg13 : memref<128x80xf32, #tpu.memory_space<vmem>>) dst(%dma_wait3A_86 : memref<128x80xf32, #tpu.memory_space<vmem_shared>>)
      tpu.yield
    }) : () -> ()
    %barrier3A_67 = arith.constant 0 : index
    tpu.barrier barrier_id(%barrier3A_67)
    %scan3A_68 = arith.constant 0 : i32
    %scan3A_69 = arith.constant 0 : i32
    %scan3A_70 = arith.constant 125 : i32
    %scan3A_71 = arith.addi %scan3A_69, %scan3A_70 : i32
    %scan3A_72 = arith.constant 1 : i32
    %scan3A_73 = scf.for %scan3A_80 = %scan3A_69 to %scan3A_71 step %scan3A_72 iter_args(%scan3A_81 = %scan3A_68) -> (i32)  : i32 {
      %mul3A_82 = arith.constant 10000 : i32
      %mul3A_83 = arith.muli %add3A, %mul3A_82 : i32
      %mul3A_84 = arith.constant 80 : i32
      %mul3A_85 = arith.muli %scan3A_80, %mul3A_84 : i32
      %add3A_86 = arith.addi %mul3A_83, %mul3A_85 : i32
      %multiple_of3A_87 = tpu.assume_multiple %add3A_86, 8 : i32
      "tpu.region"() ({
        %run_scoped3A_106 = tpu.sem_alloc : memref<!tpu.dma_semaphore, #tpu.memory_space<semaphore_mem>>
        %dma_start3A_107 = tpu.memref_slice %arg5[%multiple_of3A_87] : memref<320000xi32, #tpu.memory_space<hbm>> -> memref<80xi32, #tpu.memory_space<hbm>>
        %dma_start3A_108 = tpu.memref_slice %arg5[%multiple_of3A_87] : memref<320000xi32, #tpu.memory_space<hbm>> -> memref<80xi32, #tpu.memory_space<hbm>>
        tpu.enqueue_dma source(%dma_start3A_108 : memref<80xi32, #tpu.memory_space<hbm>>) target(%arg8 : memref<80xi32, #tpu.memory_space<vmem>>) target_semaphore(%run_scoped3A_106 : memref<!tpu.dma_semaphore, #tpu.memory_space<semaphore_mem>>)
        %dma_wait3A_109 = tpu.memref_slice %arg5[%multiple_of3A_87] : memref<320000xi32, #tpu.memory_space<hbm>> -> memref<80xi32, #tpu.memory_space<hbm>>
        %dma_wait3A_110 = tpu.memref_slice %arg5[%multiple_of3A_87] : memref<320000xi32, #tpu.memory_space<hbm>> -> memref<80xi32, #tpu.memory_space<hbm>>
        tpu.wait_dma2 semaphore(%run_scoped3A_106 : memref<!tpu.dma_semaphore, #tpu.memory_space<semaphore_mem>>) src(%dma_wait3A_110 : memref<80xi32, #tpu.memory_space<hbm>>) dst(%arg8 : memref<80xi32, #tpu.memory_space<vmem>>)
        tpu.yield
      }) : () -> ()
      "tpu.region"() ({
        %run_scoped3A_106 = tpu.sem_alloc : memref<!tpu.dma_semaphore, #tpu.memory_space<semaphore_mem>>
        %dma_start3A_107 = tpu.memref_slice %arg6[%multiple_of3A_87] : memref<320000xi32, #tpu.memory_space<hbm>> -> memref<80xi32, #tpu.memory_space<hbm>>
        %dma_start3A_108 = tpu.memref_slice %arg6[%multiple_of3A_87] : memref<320000xi32, #tpu.memory_space<hbm>> -> memref<80xi32, #tpu.memory_space<hbm>>
        tpu.enqueue_dma source(%dma_start3A_108 : memref<80xi32, #tpu.memory_space<hbm>>) target(%arg9 : memref<80xi32, #tpu.memory_space<vmem>>) target_semaphore(%run_scoped3A_106 : memref<!tpu.dma_semaphore, #tpu.memory_space<semaphore_mem>>)
        %dma_wait3A_109 = tpu.memref_slice %arg6[%multiple_of3A_87] : memref<320000xi32, #tpu.memory_space<hbm>> -> memref<80xi32, #tpu.memory_space<hbm>>
        %dma_wait3A_110 = tpu.memref_slice %arg6[%multiple_of3A_87] : memref<320000xi32, #tpu.memory_space<hbm>> -> memref<80xi32, #tpu.memory_space<hbm>>
        tpu.wait_dma2 semaphore(%run_scoped3A_106 : memref<!tpu.dma_semaphore, #tpu.memory_space<semaphore_mem>>) src(%dma_wait3A_110 : memref<80xi32, #tpu.memory_space<hbm>>) dst(%arg9 : memref<80xi32, #tpu.memory_space<vmem>>)
        tpu.yield
      }) : () -> ()
      %dma_start3A = arith.constant 0 : i32
      %dma_start3A_88 = arith.constant 0 : i32
      %dma_start3A_89 = tpu.memref_slice %arg3[%dma_start3A, %dma_start3A_88] : memref<10000x80xf32, #tpu.memory_space<hbm>> -> memref<10000x80xf32, #tpu.memory_space<hbm>>
      tpu.enqueue_indirect_dma source(%dma_start3A_89 : memref<10000x80xf32, #tpu.memory_space<hbm>>) target(%arg10 : memref<80x80xf32, #tpu.memory_space<vmem>>) offsets(%arg8 : memref<80xi32, #tpu.memory_space<vmem>>) semaphore(%arg15 : memref<!tpu.dma_semaphore, #tpu.memory_space<semaphore_mem>>)
      %dma_start3A_90 = arith.constant 0 : i32
      %dma_start3A_91 = arith.constant 0 : i32
      %dma_start3A_92 = tpu.memref_slice %arg4[%dma_start3A_90, %dma_start3A_91] : memref<10000x16xf32, #tpu.memory_space<hbm>> -> memref<10000x16xf32, #tpu.memory_space<hbm>>
      tpu.enqueue_indirect_dma source(%dma_start3A_92 : memref<10000x16xf32, #tpu.memory_space<hbm>>) target(%arg11 : memref<80x16xf32, #tpu.memory_space<vmem>>) offsets(%arg9 : memref<80xi32, #tpu.memory_space<vmem>>) semaphore(%arg16 : memref<!tpu.dma_semaphore, #tpu.memory_space<semaphore_mem>>)
      %dma_wait3A = arith.constant 0 : i32
      %dma_wait3A_93 = arith.constant 0 : i32
      %dma_wait3A_94 = tpu.memref_slice %arg3[%dma_wait3A, %dma_wait3A_93] : memref<10000x80xf32, #tpu.memory_space<hbm>> -> memref<10000x80xf32, #tpu.memory_space<hbm>>
      tpu.wait_indirect_dma semaphore(%arg15 : memref<!tpu.dma_semaphore, #tpu.memory_space<semaphore_mem>>) src(%dma_wait3A_94 : memref<10000x80xf32, #tpu.memory_space<hbm>>) dst(%arg10 : memref<80x80xf32, #tpu.memory_space<vmem>>)
      %dma_wait3A_95 = arith.constant 0 : i32
      %dma_wait3A_96 = arith.constant 0 : i32
      %dma_wait3A_97 = tpu.memref_slice %arg4[%dma_wait3A_95, %dma_wait3A_96] : memref<10000x16xf32, #tpu.memory_space<hbm>> -> memref<10000x16xf32, #tpu.memory_space<hbm>>
      tpu.wait_indirect_dma semaphore(%arg16 : memref<!tpu.dma_semaphore, #tpu.memory_space<semaphore_mem>>) src(%dma_wait3A_97 : memref<10000x16xf32, #tpu.memory_space<hbm>>) dst(%arg11 : memref<80x16xf32, #tpu.memory_space<vmem>>)
      %scan3A_98 = arith.constant 0 : i32
      %scan3A_99 = arith.constant 0 : i32
      %scan3A_100 = arith.constant 80 : i32
      %scan3A_101 = arith.addi %scan3A_99, %scan3A_100 : i32
      %scan3A_102 = arith.constant 1 : i32
      %scan3A_103 = scf.for %scan3A_106 = %scan3A_99 to %scan3A_101 step %scan3A_102 iter_args(%scan3A_107 = %scan3A_98) -> (i32)  : i32 {
        %get3A = arith.index_cast %scan3A_106 : i32 to index
        %get3A_108 = arith.constant 64 : index
        %get3A_109 = tpu.vector_load %arg10[%get3A, %get3A_108] {strides = array<i32>} : memref<80x80xf32, #tpu.memory_space<vmem>>, vector<1x16xf32>,
        %get3A_110 = vector.shape_cast %get3A_109 : vector<1x16xf32> to vector<16xf32>
        %get3A_111 = arith.index_cast %scan3A_106 : i32 to index
        %get3A_112 = arith.constant 0 : index
        %get3A_113 = tpu.vector_load %arg11[%get3A_111, %get3A_112] {strides = array<i32>} : memref<80x16xf32, #tpu.memory_space<vmem>>, vector<1x16xf32>,
        %get3A_114 = vector.shape_cast %get3A_113 : vector<1x16xf32> to vector<16xf32>
        %add3A_115 = arith.addf %get3A_110, %get3A_114 : vector<16xf32>
        %mul3A_116 = arith.constant 2.000000e-01 : f32
        %mul3A_117 = vector.broadcast %mul3A_116 : f32 to vector<16xf32>
        %mul3A_118 = arith.mulf %mul3A_117, %add3A_115 : vector<16xf32>
        %max3A = arith.maximumf %add3A_115, %mul3A_118 : vector<16xf32>
        %exp3A = math.exp %max3A : vector<16xf32>
        %swap3A = arith.index_cast %scan3A_106 : i32 to index
        %swap3A_119 = arith.constant 64 : index
        %swap3A_120 = tpu.vector_load %arg12[%swap3A, %swap3A_119] {strides = array<i32>} : memref<80x80xf32, #tpu.memory_space<vmem>>, vector<1x16xf32>,
        %swap3A_121 = vector.shape_cast %swap3A_120 : vector<1x16xf32> to vector<16xf32>
        %swap3A_122 = vector.shape_cast %exp3A : vector<16xf32> to vector<1x16xf32>
        tpu.vector_store %arg12[%swap3A, %swap3A_119], %swap3A_122 {strides = array<i32>} : memref<80x80xf32, #tpu.memory_space<vmem>>, vector<1x16xf32>,
        %slice3A = vector.extract_strided_slice %exp3A {offsets = [4], sizes = [1], strides = [1]} : vector<16xf32> to vector<1xf32>
        %squeeze3A = vector.extract %slice3A[0] : f32 from vector<1xf32>
        %get3A_123 = arith.index_cast %scan3A_106 : i32 to index
        %get3A_124 = arith.constant 0 : index
        %get3A_125 = tpu.vector_load %arg10[%get3A_123, %get3A_124] {strides = array<i32>} : memref<80x80xf32, #tpu.memory_space<vmem>>, vector<1x16xf32>,
        %get3A_126 = vector.shape_cast %get3A_125 : vector<1x16xf32> to vector<16xf32>
        %mul3A_127 = vector.broadcast %squeeze3A : f32 to vector<16xf32>
        %mul3A_128 = arith.mulf %get3A_126, %mul3A_127 : vector<16xf32>
        %swap3A_129 = arith.index_cast %scan3A_106 : i32 to index
        %swap3A_130 = arith.constant 0 : index
        %swap3A_131 = tpu.vector_load %arg12[%swap3A_129, %swap3A_130] {strides = array<i32>} : memref<80x80xf32, #tpu.memory_space<vmem>>, vector<1x16xf32>,
        %swap3A_132 = vector.shape_cast %swap3A_131 : vector<1x16xf32> to vector<16xf32>
        %swap3A_133 = vector.shape_cast %mul3A_128 : vector<16xf32> to vector<1x16xf32>
        tpu.vector_store %arg12[%swap3A_129, %swap3A_130], %swap3A_133 {strides = array<i32>} : memref<80x80xf32, #tpu.memory_space<vmem>>, vector<1x16xf32>,
        %slice3A_134 = vector.extract_strided_slice %exp3A {offsets = [5], sizes = [1], strides = [1]} : vector<16xf32> to vector<1xf32>
        %squeeze3A_135 = vector.extract %slice3A_134[0] : f32 from vector<1xf32>
        %get3A_136 = arith.index_cast %scan3A_106 : i32 to index
        %get3A_137 = arith.constant 16 : index
        %get3A_138 = tpu.vector_load %arg10[%get3A_136, %get3A_137] {strides = array<i32>} : memref<80x80xf32, #tpu.memory_space<vmem>>, vector<1x16xf32>,
        %get3A_139 = vector.shape_cast %get3A_138 : vector<1x16xf32> to vector<16xf32>
        %mul3A_140 = vector.broadcast %squeeze3A_135 : f32 to vector<16xf32>
        %mul3A_141 = arith.mulf %get3A_139, %mul3A_140 : vector<16xf32>
        %swap3A_142 = arith.index_cast %scan3A_106 : i32 to index
        %swap3A_143 = arith.constant 16 : index
        %swap3A_144 = tpu.vector_load %arg12[%swap3A_142, %swap3A_143] {strides = array<i32>} : memref<80x80xf32, #tpu.memory_space<vmem>>, vector<1x16xf32>,
        %swap3A_145 = vector.shape_cast %swap3A_144 : vector<1x16xf32> to vector<16xf32>
        %swap3A_146 = vector.shape_cast %mul3A_141 : vector<16xf32> to vector<1x16xf32>
        tpu.vector_store %arg12[%swap3A_142, %swap3A_143], %swap3A_146 {strides = array<i32>} : memref<80x80xf32, #tpu.memory_space<vmem>>, vector<1x16xf32>,
        %slice3A_147 = vector.extract_strided_slice %exp3A {offsets = [6], sizes = [1], strides = [1]} : vector<16xf32> to vector<1xf32>
        %squeeze3A_148 = vector.extract %slice3A_147[0] : f32 from vector<1xf32>
        %get3A_149 = arith.index_cast %scan3A_106 : i32 to index
        %get3A_150 = arith.constant 32 : index
        %get3A_151 = tpu.vector_load %arg10[%get3A_149, %get3A_150] {strides = array<i32>} : memref<80x80xf32, #tpu.memory_space<vmem>>, vector<1x16xf32>,
        %get3A_152 = vector.shape_cast %get3A_151 : vector<1x16xf32> to vector<16xf32>
        %mul3A_153 = vector.broadcast %squeeze3A_148 : f32 to vector<16xf32>
        %mul3A_154 = arith.mulf %get3A_152, %mul3A_153 : vector<16xf32>
        %swap3A_155 = arith.index_cast %scan3A_106 : i32 to index
        %swap3A_156 = arith.constant 32 : index
        %swap3A_157 = tpu.vector_load %arg12[%swap3A_155, %swap3A_156] {strides = array<i32>} : memref<80x80xf32, #tpu.memory_space<vmem>>, vector<1x16xf32>,
        %swap3A_158 = vector.shape_cast %swap3A_157 : vector<1x16xf32> to vector<16xf32>
        %swap3A_159 = vector.shape_cast %mul3A_154 : vector<16xf32> to vector<1x16xf32>
        tpu.vector_store %arg12[%swap3A_155, %swap3A_156], %swap3A_159 {strides = array<i32>} : memref<80x80xf32, #tpu.memory_space<vmem>>, vector<1x16xf32>,
        %slice3A_160 = vector.extract_strided_slice %exp3A {offsets = [7], sizes = [1], strides = [1]} : vector<16xf32> to vector<1xf32>
        %squeeze3A_161 = vector.extract %slice3A_160[0] : f32 from vector<1xf32>
        %get3A_162 = arith.index_cast %scan3A_106 : i32 to index
        %get3A_163 = arith.constant 48 : index
        %get3A_164 = tpu.vector_load %arg10[%get3A_162, %get3A_163] {strides = array<i32>} : memref<80x80xf32, #tpu.memory_space<vmem>>, vector<1x16xf32>,
        %get3A_165 = vector.shape_cast %get3A_164 : vector<1x16xf32> to vector<16xf32>
        %mul3A_166 = vector.broadcast %squeeze3A_161 : f32 to vector<16xf32>
        %mul3A_167 = arith.mulf %get3A_165, %mul3A_166 : vector<16xf32>
        %swap3A_168 = arith.index_cast %scan3A_106 : i32 to index
        %swap3A_169 = arith.constant 48 : index
        %swap3A_170 = tpu.vector_load %arg12[%swap3A_168, %swap3A_169] {strides = array<i32>} : memref<80x80xf32, #tpu.memory_space<vmem>>, vector<1x16xf32>,
        %swap3A_171 = vector.shape_cast %swap3A_170 : vector<1x16xf32> to vector<16xf32>
        %swap3A_172 = vector.shape_cast %mul3A_167 : vector<16xf32> to vector<1x16xf32>
        tpu.vector_store %arg12[%swap3A_168, %swap3A_169], %swap3A_172 {strides = array<i32>} : memref<80x80xf32, #tpu.memory_space<vmem>>, vector<1x16xf32>,
        %scan3A_173 = arith.constant 0 : i32
        scf.yield %scan3A_173 : i32
      }
      %scan3A_104 = arith.constant 80 : i32
      "tpu.region"() ({
        %run_scoped3A_106 = tpu.sem_alloc : memref<!tpu.dma_semaphore, #tpu.memory_space<semaphore_mem>>
        %dma_start3A_107 = arith.constant 0 : i32
        %dma_start3A_108 = arith.constant 0 : i32
        %dma_start3A_109 = tpu.memref_slice %arg14[%dma_start3A_107, %dma_start3A_108] : memref<10240x80xf32, #tpu.memory_space<vmem_shared>> -> memref<10240x80xf32, #tpu.memory_space<vmem_shared>>
        tpu.enqueue_indirect_dma source(%arg12 : memref<80x80xf32, #tpu.memory_space<vmem>>) target(%dma_start3A_109 : memref<10240x80xf32, #tpu.memory_space<vmem_shared>>) offsets(%arg9 : memref<80xi32, #tpu.memory_space<vmem>>) semaphore(%run_scoped3A_106 : memref<!tpu.dma_semaphore, #tpu.memory_space<semaphore_mem>>) {add = true}
        %dma_wait3A_110 = arith.constant 0 : i32
        %dma_wait3A_111 = arith.constant 0 : i32
        %dma_wait3A_112 = tpu.memref_slice %arg14[%dma_wait3A_110, %dma_wait3A_111] : memref<10240x80xf32, #tpu.memory_space<vmem_shared>> -> memref<10240x80xf32, #tpu.memory_space<vmem_shared>>
        tpu.wait_indirect_dma semaphore(%run_scoped3A_106 : memref<!tpu.dma_semaphore, #tpu.memory_space<semaphore_mem>>) src(%arg12 : memref<80x80xf32, #tpu.memory_space<vmem>>) dst(%dma_wait3A_112 : memref<10240x80xf32, #tpu.memory_space<vmem_shared>>)
        tpu.yield
      }) : () -> ()
      %scan3A_105 = arith.constant 0 : i32
      scf.yield %scan3A_105 : i32
    }
    %scan3A_74 = arith.constant 125 : i32
    %barrier3A_75 = arith.constant 0 : index
    tpu.barrier barrier_id(%barrier3A_75)
    %mul3A_76 = arith.constant 640 : i32
    %mul3A_77 = arith.muli %arg1, %mul3A_76 : i32
    %multiple_of3A_78 = tpu.assume_multiple %mul3A_77, 8 : i32
    %run_scoped3A_79 = arith.constant 1 : i32
    "tpu.region"() ({
      %run_scoped3A_80 = tpu.sem_alloc : memref<!tpu.dma_semaphore, #tpu.memory_space<semaphore_mem>>
      %dma_start3A = arith.constant 0 : i32
      %dma_start3A_81 = tpu.memref_slice %arg7[%run_scoped3A_79, %arg0, %multiple_of3A_78, %dma_start3A] : memref<2x2x10240x80xf32, #tpu.memory_space<hbm>> -> memref<1x1x640x80xf32, #tpu.memory_space<hbm>>
      %dma_start3A_82 = tpu.memref_squeeze %dma_start3A_81 : memref<1x1x640x80xf32, #tpu.memory_space<hbm>> -> memref<640x80xf32, #tpu.memory_space<hbm>>
      %dma_start3A_83 = arith.constant 0 : i32
      %dma_start3A_84 = tpu.memref_slice %arg14[%multiple_of3A_78, %dma_start3A_83] : memref<10240x80xf32, #tpu.memory_space<vmem_shared>> -> memref<640x80xf32, #tpu.memory_space<vmem_shared>>
      tpu.enqueue_dma source(%dma_start3A_84 : memref<640x80xf32, #tpu.memory_space<vmem_shared>>) target(%dma_start3A_82 : memref<640x80xf32, #tpu.memory_space<hbm>>) target_semaphore(%run_scoped3A_80 : memref<!tpu.dma_semaphore, #tpu.memory_space<semaphore_mem>>)
      %dma_wait3A = arith.constant 0 : i32
      %dma_wait3A_85 = tpu.memref_slice %arg7[%run_scoped3A_79, %arg0, %multiple_of3A_78, %dma_wait3A] : memref<2x2x10240x80xf32, #tpu.memory_space<hbm>> -> memref<1x1x640x80xf32, #tpu.memory_space<hbm>>
      %dma_wait3A_86 = tpu.memref_squeeze %dma_wait3A_85 : memref<1x1x640x80xf32, #tpu.memory_space<hbm>> -> memref<640x80xf32, #tpu.memory_space<hbm>>
      %dma_wait3A_87 = arith.constant 0 : i32
      %dma_wait3A_88 = tpu.memref_slice %arg14[%multiple_of3A_78, %dma_wait3A_87] : memref<10240x80xf32, #tpu.memory_space<vmem_shared>> -> memref<640x80xf32, #tpu.memory_space<vmem_shared>>
      tpu.wait_dma2 semaphore(%run_scoped3A_80 : memref<!tpu.dma_semaphore, #tpu.memory_space<semaphore_mem>>) src(%dma_wait3A_88 : memref<640x80xf32, #tpu.memory_space<vmem_shared>>) dst(%dma_wait3A_86 : memref<640x80xf32, #tpu.memory_space<hbm>>)
      tpu.yield
    }) : () -> ()
    return
  }
}

#map = affine_map<(d0, d1) -> (0, 0)>
#map1 = affine_map<(d0, d1) -> (0)>
#map2 = affine_map<(d0, d1) -> (0, 0, 0)>
module attributes {stable_mosaic.version = 14 : i64} {
  func.func @_sc2_body(%arg0: i32, %arg1: i32, %arg2: memref<10000x16xf32, #tpu.memory_space<hbm>>, %arg3: memref<10000x16xf32, #tpu.memory_space<hbm>>, %arg4: memref<320000xi32, #tpu.memory_space<hbm>>, %arg5: memref<320000xi32, #tpu.memory_space<hbm>>, %arg6: memref<2x10240x16xf32, #tpu.memory_space<hbm>>, %arg7: memref<80xi32, #tpu.memory_space<vmem>>, %arg8: memref<80xi32, #tpu.memory_space<vmem>>, %arg9: memref<80x16xf32, #tpu.memory_space<vmem>>, %arg10: memref<80x16xf32, #tpu.memory_space<vmem>>, %arg11: memref<80x16xf32, #tpu.memory_space<vmem>>, %arg12: memref<128x16xf32, #tpu.memory_space<vmem>>, %arg13: memref<10240x16xf32, #tpu.memory_space<vmem_shared>>, %arg14: memref<!tpu.dma_semaphore, #tpu.memory_space<semaphore_mem>>, %arg15: memref<!tpu.dma_semaphore, #tpu.memory_space<semaphore_mem>>) attributes {dimension_semantics = [#tpu.dimension_semantics<core_parallel>, #tpu.dimension_semantics<subcore_parallel>], iteration_bounds = array<i64: 2, 16>, scalar_prefetch = 0 : i64, scratch_operands = 9 : i64, tpu.core_type = #tpu.core_type<sc_vector_subcore>, window_params = [{transform_indices = #map}, {transform_indices = #map}, {transform_indices = #map1}, {transform_indices = #map1}, {transform_indices = #map2}]} {
    %mul3A = arith.constant 16 : i32
    %mul3A_0 = arith.muli %arg0, %mul3A : i32
    %add3A = arith.addi %mul3A_0, %arg1 : i32
    %scan3A = arith.constant 0 : i32
    %scan3A_1 = arith.constant 0 : i32
    %scan3A_2 = arith.constant 128 : i32
    %scan3A_3 = arith.addi %scan3A_1, %scan3A_2 : i32
    %scan3A_4 = arith.constant 1 : i32
    %scan3A_5 = scf.for %scan3A_42 = %scan3A_1 to %scan3A_3 step %scan3A_4 iter_args(%scan3A_43 = %scan3A) -> (i32)  : i32 {
      %broadcast_in_dim3A = arith.constant 0.000000e+00 : f32
      %broadcast_in_dim3A_44 = vector.broadcast %broadcast_in_dim3A : f32 to vector<16xf32>
      %swap3A = arith.index_cast %scan3A_42 : i32 to index
      %swap3A_45 = arith.constant 0 : index
      %swap3A_46 = tpu.vector_load %arg12[%swap3A, %swap3A_45] {strides = array<i32>} : memref<128x16xf32, #tpu.memory_space<vmem>>, vector<1x16xf32>,
      %swap3A_47 = vector.shape_cast %swap3A_46 : vector<1x16xf32> to vector<16xf32>
      %swap3A_48 = vector.shape_cast %broadcast_in_dim3A_44 : vector<16xf32> to vector<1x16xf32>
      tpu.vector_store %arg12[%swap3A, %swap3A_45], %swap3A_48 {strides = array<i32>} : memref<128x16xf32, #tpu.memory_space<vmem>>, vector<1x16xf32>,
      %scan3A_49 = arith.constant 0 : i32
      scf.yield %scan3A_49 : i32
    }
    %scan3A_6 = arith.constant 128 : i32
    %mul3A_7 = arith.constant 640 : i32
    %mul3A_8 = arith.muli %arg1, %mul3A_7 : i32
    %add3A_9 = arith.constant 0 : i32
    %add3A_10 = arith.addi %mul3A_8, %add3A_9 : i32
    %multiple_of3A = tpu.assume_multiple %add3A_10, 8 : i32
    "tpu.region"() ({
      %run_scoped3A = tpu.sem_alloc : memref<!tpu.dma_semaphore, #tpu.memory_space<semaphore_mem>>
      %dma_start3A = arith.constant 0 : i32
      %dma_start3A_42 = tpu.memref_slice %arg13[%multiple_of3A, %dma_start3A] : memref<10240x16xf32, #tpu.memory_space<vmem_shared>> -> memref<128x16xf32, #tpu.memory_space<vmem_shared>>
      %dma_start3A_43 = arith.constant 0 : i32
      %dma_start3A_44 = tpu.memref_slice %arg13[%multiple_of3A, %dma_start3A_43] : memref<10240x16xf32, #tpu.memory_space<vmem_shared>> -> memref<128x16xf32, #tpu.memory_space<vmem_shared>>
      tpu.enqueue_dma source(%arg12 : memref<128x16xf32, #tpu.memory_space<vmem>>) target(%dma_start3A_44 : memref<128x16xf32, #tpu.memory_space<vmem_shared>>) target_semaphore(%run_scoped3A : memref<!tpu.dma_semaphore, #tpu.memory_space<semaphore_mem>>)
      %dma_wait3A = arith.constant 0 : i32
      %dma_wait3A_45 = tpu.memref_slice %arg13[%multiple_of3A, %dma_wait3A] : memref<10240x16xf32, #tpu.memory_space<vmem_shared>> -> memref<128x16xf32, #tpu.memory_space<vmem_shared>>
      %dma_wait3A_46 = arith.constant 0 : i32
      %dma_wait3A_47 = tpu.memref_slice %arg13[%multiple_of3A, %dma_wait3A_46] : memref<10240x16xf32, #tpu.memory_space<vmem_shared>> -> memref<128x16xf32, #tpu.memory_space<vmem_shared>>
      tpu.wait_dma2 semaphore(%run_scoped3A : memref<!tpu.dma_semaphore, #tpu.memory_space<semaphore_mem>>) src(%arg12 : memref<128x16xf32, #tpu.memory_space<vmem>>) dst(%dma_wait3A_47 : memref<128x16xf32, #tpu.memory_space<vmem_shared>>)
      tpu.yield
    }) : () -> ()
    %mul3A_11 = arith.constant 640 : i32
    %mul3A_12 = arith.muli %arg1, %mul3A_11 : i32
    %add3A_13 = arith.constant 128 : i32
    %add3A_14 = arith.addi %mul3A_12, %add3A_13 : i32
    %multiple_of3A_15 = tpu.assume_multiple %add3A_14, 8 : i32
    "tpu.region"() ({
      %run_scoped3A = tpu.sem_alloc : memref<!tpu.dma_semaphore, #tpu.memory_space<semaphore_mem>>
      %dma_start3A = arith.constant 0 : i32
      %dma_start3A_42 = tpu.memref_slice %arg13[%multiple_of3A_15, %dma_start3A] : memref<10240x16xf32, #tpu.memory_space<vmem_shared>> -> memref<128x16xf32, #tpu.memory_space<vmem_shared>>
      %dma_start3A_43 = arith.constant 0 : i32
      %dma_start3A_44 = tpu.memref_slice %arg13[%multiple_of3A_15, %dma_start3A_43] : memref<10240x16xf32, #tpu.memory_space<vmem_shared>> -> memref<128x16xf32, #tpu.memory_space<vmem_shared>>
      tpu.enqueue_dma source(%arg12 : memref<128x16xf32, #tpu.memory_space<vmem>>) target(%dma_start3A_44 : memref<128x16xf32, #tpu.memory_space<vmem_shared>>) target_semaphore(%run_scoped3A : memref<!tpu.dma_semaphore, #tpu.memory_space<semaphore_mem>>)
      %dma_wait3A = arith.constant 0 : i32
      %dma_wait3A_45 = tpu.memref_slice %arg13[%multiple_of3A_15, %dma_wait3A] : memref<10240x16xf32, #tpu.memory_space<vmem_shared>> -> memref<128x16xf32, #tpu.memory_space<vmem_shared>>
      %dma_wait3A_46 = arith.constant 0 : i32
      %dma_wait3A_47 = tpu.memref_slice %arg13[%multiple_of3A_15, %dma_wait3A_46] : memref<10240x16xf32, #tpu.memory_space<vmem_shared>> -> memref<128x16xf32, #tpu.memory_space<vmem_shared>>
      tpu.wait_dma2 semaphore(%run_scoped3A : memref<!tpu.dma_semaphore, #tpu.memory_space<semaphore_mem>>) src(%arg12 : memref<128x16xf32, #tpu.memory_space<vmem>>) dst(%dma_wait3A_47 : memref<128x16xf32, #tpu.memory_space<vmem_shared>>)
      tpu.yield
    }) : () -> ()
    %mul3A_16 = arith.constant 640 : i32
    %mul3A_17 = arith.muli %arg1, %mul3A_16 : i32
    %add3A_18 = arith.constant 256 : i32
    %add3A_19 = arith.addi %mul3A_17, %add3A_18 : i32
    %multiple_of3A_20 = tpu.assume_multiple %add3A_19, 8 : i32
    "tpu.region"() ({
      %run_scoped3A = tpu.sem_alloc : memref<!tpu.dma_semaphore, #tpu.memory_space<semaphore_mem>>
      %dma_start3A = arith.constant 0 : i32
      %dma_start3A_42 = tpu.memref_slice %arg13[%multiple_of3A_20, %dma_start3A] : memref<10240x16xf32, #tpu.memory_space<vmem_shared>> -> memref<128x16xf32, #tpu.memory_space<vmem_shared>>
      %dma_start3A_43 = arith.constant 0 : i32
      %dma_start3A_44 = tpu.memref_slice %arg13[%multiple_of3A_20, %dma_start3A_43] : memref<10240x16xf32, #tpu.memory_space<vmem_shared>> -> memref<128x16xf32, #tpu.memory_space<vmem_shared>>
      tpu.enqueue_dma source(%arg12 : memref<128x16xf32, #tpu.memory_space<vmem>>) target(%dma_start3A_44 : memref<128x16xf32, #tpu.memory_space<vmem_shared>>) target_semaphore(%run_scoped3A : memref<!tpu.dma_semaphore, #tpu.memory_space<semaphore_mem>>)
      %dma_wait3A = arith.constant 0 : i32
      %dma_wait3A_45 = tpu.memref_slice %arg13[%multiple_of3A_20, %dma_wait3A] : memref<10240x16xf32, #tpu.memory_space<vmem_shared>> -> memref<128x16xf32, #tpu.memory_space<vmem_shared>>
      %dma_wait3A_46 = arith.constant 0 : i32
      %dma_wait3A_47 = tpu.memref_slice %arg13[%multiple_of3A_20, %dma_wait3A_46] : memref<10240x16xf32, #tpu.memory_space<vmem_shared>> -> memref<128x16xf32, #tpu.memory_space<vmem_shared>>
      tpu.wait_dma2 semaphore(%run_scoped3A : memref<!tpu.dma_semaphore, #tpu.memory_space<semaphore_mem>>) src(%arg12 : memref<128x16xf32, #tpu.memory_space<vmem>>) dst(%dma_wait3A_47 : memref<128x16xf32, #tpu.memory_space<vmem_shared>>)
      tpu.yield
    }) : () -> ()
    %mul3A_21 = arith.constant 640 : i32
    %mul3A_22 = arith.muli %arg1, %mul3A_21 : i32
    %add3A_23 = arith.constant 384 : i32
    %add3A_24 = arith.addi %mul3A_22, %add3A_23 : i32
    %multiple_of3A_25 = tpu.assume_multiple %add3A_24, 8 : i32
    "tpu.region"() ({
      %run_scoped3A = tpu.sem_alloc : memref<!tpu.dma_semaphore, #tpu.memory_space<semaphore_mem>>
      %dma_start3A = arith.constant 0 : i32
      %dma_start3A_42 = tpu.memref_slice %arg13[%multiple_of3A_25, %dma_start3A] : memref<10240x16xf32, #tpu.memory_space<vmem_shared>> -> memref<128x16xf32, #tpu.memory_space<vmem_shared>>
      %dma_start3A_43 = arith.constant 0 : i32
      %dma_start3A_44 = tpu.memref_slice %arg13[%multiple_of3A_25, %dma_start3A_43] : memref<10240x16xf32, #tpu.memory_space<vmem_shared>> -> memref<128x16xf32, #tpu.memory_space<vmem_shared>>
      tpu.enqueue_dma source(%arg12 : memref<128x16xf32, #tpu.memory_space<vmem>>) target(%dma_start3A_44 : memref<128x16xf32, #tpu.memory_space<vmem_shared>>) target_semaphore(%run_scoped3A : memref<!tpu.dma_semaphore, #tpu.memory_space<semaphore_mem>>)
      %dma_wait3A = arith.constant 0 : i32
      %dma_wait3A_45 = tpu.memref_slice %arg13[%multiple_of3A_25, %dma_wait3A] : memref<10240x16xf32, #tpu.memory_space<vmem_shared>> -> memref<128x16xf32, #tpu.memory_space<vmem_shared>>
      %dma_wait3A_46 = arith.constant 0 : i32
      %dma_wait3A_47 = tpu.memref_slice %arg13[%multiple_of3A_25, %dma_wait3A_46] : memref<10240x16xf32, #tpu.memory_space<vmem_shared>> -> memref<128x16xf32, #tpu.memory_space<vmem_shared>>
      tpu.wait_dma2 semaphore(%run_scoped3A : memref<!tpu.dma_semaphore, #tpu.memory_space<semaphore_mem>>) src(%arg12 : memref<128x16xf32, #tpu.memory_space<vmem>>) dst(%dma_wait3A_47 : memref<128x16xf32, #tpu.memory_space<vmem_shared>>)
      tpu.yield
    }) : () -> ()
    %mul3A_26 = arith.constant 640 : i32
    %mul3A_27 = arith.muli %arg1, %mul3A_26 : i32
    %add3A_28 = arith.constant 512 : i32
    %add3A_29 = arith.addi %mul3A_27, %add3A_28 : i32
    %multiple_of3A_30 = tpu.assume_multiple %add3A_29, 8 : i32
    "tpu.region"() ({
      %run_scoped3A = tpu.sem_alloc : memref<!tpu.dma_semaphore, #tpu.memory_space<semaphore_mem>>
      %dma_start3A = arith.constant 0 : i32
      %dma_start3A_42 = tpu.memref_slice %arg13[%multiple_of3A_30, %dma_start3A] : memref<10240x16xf32, #tpu.memory_space<vmem_shared>> -> memref<128x16xf32, #tpu.memory_space<vmem_shared>>
      %dma_start3A_43 = arith.constant 0 : i32
      %dma_start3A_44 = tpu.memref_slice %arg13[%multiple_of3A_30, %dma_start3A_43] : memref<10240x16xf32, #tpu.memory_space<vmem_shared>> -> memref<128x16xf32, #tpu.memory_space<vmem_shared>>
      tpu.enqueue_dma source(%arg12 : memref<128x16xf32, #tpu.memory_space<vmem>>) target(%dma_start3A_44 : memref<128x16xf32, #tpu.memory_space<vmem_shared>>) target_semaphore(%run_scoped3A : memref<!tpu.dma_semaphore, #tpu.memory_space<semaphore_mem>>)
      %dma_wait3A = arith.constant 0 : i32
      %dma_wait3A_45 = tpu.memref_slice %arg13[%multiple_of3A_30, %dma_wait3A] : memref<10240x16xf32, #tpu.memory_space<vmem_shared>> -> memref<128x16xf32, #tpu.memory_space<vmem_shared>>
      %dma_wait3A_46 = arith.constant 0 : i32
      %dma_wait3A_47 = tpu.memref_slice %arg13[%multiple_of3A_30, %dma_wait3A_46] : memref<10240x16xf32, #tpu.memory_space<vmem_shared>> -> memref<128x16xf32, #tpu.memory_space<vmem_shared>>
      tpu.wait_dma2 semaphore(%run_scoped3A : memref<!tpu.dma_semaphore, #tpu.memory_space<semaphore_mem>>) src(%arg12 : memref<128x16xf32, #tpu.memory_space<vmem>>) dst(%dma_wait3A_47 : memref<128x16xf32, #tpu.memory_space<vmem_shared>>)
      tpu.yield
    }) : () -> ()
    %barrier3A = arith.constant 0 : index
    tpu.barrier barrier_id(%barrier3A)
    %scan3A_31 = arith.constant 0 : i32
    %scan3A_32 = arith.constant 0 : i32
    %scan3A_33 = arith.constant 125 : i32
    %scan3A_34 = arith.addi %scan3A_32, %scan3A_33 : i32
    %scan3A_35 = arith.constant 1 : i32
    %scan3A_36 = scf.for %scan3A_42 = %scan3A_32 to %scan3A_34 step %scan3A_35 iter_args(%scan3A_43 = %scan3A_31) -> (i32)  : i32 {
      %mul3A_44 = arith.constant 10000 : i32
      %mul3A_45 = arith.muli %add3A, %mul3A_44 : i32
      %mul3A_46 = arith.constant 80 : i32
      %mul3A_47 = arith.muli %scan3A_42, %mul3A_46 : i32
      %add3A_48 = arith.addi %mul3A_45, %mul3A_47 : i32
      %multiple_of3A_49 = tpu.assume_multiple %add3A_48, 8 : i32
      "tpu.region"() ({
        %run_scoped3A = tpu.sem_alloc : memref<!tpu.dma_semaphore, #tpu.memory_space<semaphore_mem>>
        %dma_start3A_68 = tpu.memref_slice %arg4[%multiple_of3A_49] : memref<320000xi32, #tpu.memory_space<hbm>> -> memref<80xi32, #tpu.memory_space<hbm>>
        %dma_start3A_69 = tpu.memref_slice %arg4[%multiple_of3A_49] : memref<320000xi32, #tpu.memory_space<hbm>> -> memref<80xi32, #tpu.memory_space<hbm>>
        tpu.enqueue_dma source(%dma_start3A_69 : memref<80xi32, #tpu.memory_space<hbm>>) target(%arg7 : memref<80xi32, #tpu.memory_space<vmem>>) target_semaphore(%run_scoped3A : memref<!tpu.dma_semaphore, #tpu.memory_space<semaphore_mem>>)
        %dma_wait3A_70 = tpu.memref_slice %arg4[%multiple_of3A_49] : memref<320000xi32, #tpu.memory_space<hbm>> -> memref<80xi32, #tpu.memory_space<hbm>>
        %dma_wait3A_71 = tpu.memref_slice %arg4[%multiple_of3A_49] : memref<320000xi32, #tpu.memory_space<hbm>> -> memref<80xi32, #tpu.memory_space<hbm>>
        tpu.wait_dma2 semaphore(%run_scoped3A : memref<!tpu.dma_semaphore, #tpu.memory_space<semaphore_mem>>) src(%dma_wait3A_71 : memref<80xi32, #tpu.memory_space<hbm>>) dst(%arg7 : memref<80xi32, #tpu.memory_space<vmem>>)
        tpu.yield
      }) : () -> ()
      "tpu.region"() ({
        %run_scoped3A = tpu.sem_alloc : memref<!tpu.dma_semaphore, #tpu.memory_space<semaphore_mem>>
        %dma_start3A_68 = tpu.memref_slice %arg5[%multiple_of3A_49] : memref<320000xi32, #tpu.memory_space<hbm>> -> memref<80xi32, #tpu.memory_space<hbm>>
        %dma_start3A_69 = tpu.memref_slice %arg5[%multiple_of3A_49] : memref<320000xi32, #tpu.memory_space<hbm>> -> memref<80xi32, #tpu.memory_space<hbm>>
        tpu.enqueue_dma source(%dma_start3A_69 : memref<80xi32, #tpu.memory_space<hbm>>) target(%arg8 : memref<80xi32, #tpu.memory_space<vmem>>) target_semaphore(%run_scoped3A : memref<!tpu.dma_semaphore, #tpu.memory_space<semaphore_mem>>)
        %dma_wait3A_70 = tpu.memref_slice %arg5[%multiple_of3A_49] : memref<320000xi32, #tpu.memory_space<hbm>> -> memref<80xi32, #tpu.memory_space<hbm>>
        %dma_wait3A_71 = tpu.memref_slice %arg5[%multiple_of3A_49] : memref<320000xi32, #tpu.memory_space<hbm>> -> memref<80xi32, #tpu.memory_space<hbm>>
        tpu.wait_dma2 semaphore(%run_scoped3A : memref<!tpu.dma_semaphore, #tpu.memory_space<semaphore_mem>>) src(%dma_wait3A_71 : memref<80xi32, #tpu.memory_space<hbm>>) dst(%arg8 : memref<80xi32, #tpu.memory_space<vmem>>)
        tpu.yield
      }) : () -> ()
      %dma_start3A = arith.constant 0 : i32
      %dma_start3A_50 = arith.constant 0 : i32
      %dma_start3A_51 = tpu.memref_slice %arg2[%dma_start3A, %dma_start3A_50] : memref<10000x16xf32, #tpu.memory_space<hbm>> -> memref<10000x16xf32, #tpu.memory_space<hbm>>
      tpu.enqueue_indirect_dma source(%dma_start3A_51 : memref<10000x16xf32, #tpu.memory_space<hbm>>) target(%arg9 : memref<80x16xf32, #tpu.memory_space<vmem>>) offsets(%arg7 : memref<80xi32, #tpu.memory_space<vmem>>) semaphore(%arg14 : memref<!tpu.dma_semaphore, #tpu.memory_space<semaphore_mem>>)
      %dma_start3A_52 = arith.constant 0 : i32
      %dma_start3A_53 = arith.constant 0 : i32
      %dma_start3A_54 = tpu.memref_slice %arg3[%dma_start3A_52, %dma_start3A_53] : memref<10000x16xf32, #tpu.memory_space<hbm>> -> memref<10000x16xf32, #tpu.memory_space<hbm>>
      tpu.enqueue_indirect_dma source(%dma_start3A_54 : memref<10000x16xf32, #tpu.memory_space<hbm>>) target(%arg10 : memref<80x16xf32, #tpu.memory_space<vmem>>) offsets(%arg8 : memref<80xi32, #tpu.memory_space<vmem>>) semaphore(%arg15 : memref<!tpu.dma_semaphore, #tpu.memory_space<semaphore_mem>>)
      %dma_wait3A = arith.constant 0 : i32
      %dma_wait3A_55 = arith.constant 0 : i32
      %dma_wait3A_56 = tpu.memref_slice %arg2[%dma_wait3A, %dma_wait3A_55] : memref<10000x16xf32, #tpu.memory_space<hbm>> -> memref<10000x16xf32, #tpu.memory_space<hbm>>
      tpu.wait_indirect_dma semaphore(%arg14 : memref<!tpu.dma_semaphore, #tpu.memory_space<semaphore_mem>>) src(%dma_wait3A_56 : memref<10000x16xf32, #tpu.memory_space<hbm>>) dst(%arg9 : memref<80x16xf32, #tpu.memory_space<vmem>>)
      %dma_wait3A_57 = arith.constant 0 : i32
      %dma_wait3A_58 = arith.constant 0 : i32
      %dma_wait3A_59 = tpu.memref_slice %arg3[%dma_wait3A_57, %dma_wait3A_58] : memref<10000x16xf32, #tpu.memory_space<hbm>> -> memref<10000x16xf32, #tpu.memory_space<hbm>>
      tpu.wait_indirect_dma semaphore(%arg15 : memref<!tpu.dma_semaphore, #tpu.memory_space<semaphore_mem>>) src(%dma_wait3A_59 : memref<10000x16xf32, #tpu.memory_space<hbm>>) dst(%arg10 : memref<80x16xf32, #tpu.memory_space<vmem>>)
      %scan3A_60 = arith.constant 0 : i32
      %scan3A_61 = arith.constant 0 : i32
      %scan3A_62 = arith.constant 80 : i32
      %scan3A_63 = arith.addi %scan3A_61, %scan3A_62 : i32
      %scan3A_64 = arith.constant 1 : i32
      %scan3A_65 = scf.for %scan3A_68 = %scan3A_61 to %scan3A_63 step %scan3A_64 iter_args(%scan3A_69 = %scan3A_60) -> (i32)  : i32 {
        %get3A = arith.index_cast %scan3A_68 : i32 to index
        %get3A_70 = arith.constant 0 : index
        %get3A_71 = tpu.vector_load %arg9[%get3A, %get3A_70] {strides = array<i32>} : memref<80x16xf32, #tpu.memory_space<vmem>>, vector<1x16xf32>,
        %get3A_72 = vector.shape_cast %get3A_71 : vector<1x16xf32> to vector<16xf32>
        %get3A_73 = arith.index_cast %scan3A_68 : i32 to index
        %get3A_74 = arith.constant 0 : index
        %get3A_75 = tpu.vector_load %arg10[%get3A_73, %get3A_74] {strides = array<i32>} : memref<80x16xf32, #tpu.memory_space<vmem>>, vector<1x16xf32>,
        %get3A_76 = vector.shape_cast %get3A_75 : vector<1x16xf32> to vector<16xf32>
        %add3A_77 = arith.addf %get3A_72, %get3A_76 : vector<16xf32>
        %mul3A_78 = arith.constant 2.000000e-01 : f32
        %mul3A_79 = vector.broadcast %mul3A_78 : f32 to vector<16xf32>
        %mul3A_80 = arith.mulf %mul3A_79, %add3A_77 : vector<16xf32>
        %max3A = arith.maximumf %add3A_77, %mul3A_80 : vector<16xf32>
        %exp3A = math.exp %max3A : vector<16xf32>
        %slice3A = vector.extract_strided_slice %exp3A {offsets = [3], sizes = [1], strides = [1]} : vector<16xf32> to vector<1xf32>
        %squeeze3A = vector.extract %slice3A[0] : f32 from vector<1xf32>
        %mul3A_81 = vector.broadcast %squeeze3A : f32 to vector<16xf32>
        %mul3A_82 = arith.mulf %get3A_72, %mul3A_81 : vector<16xf32>
        %swap3A = arith.index_cast %scan3A_68 : i32 to index
        %swap3A_83 = arith.constant 0 : index
        %swap3A_84 = tpu.vector_load %arg11[%swap3A, %swap3A_83] {strides = array<i32>} : memref<80x16xf32, #tpu.memory_space<vmem>>, vector<1x16xf32>,
        %swap3A_85 = vector.shape_cast %swap3A_84 : vector<1x16xf32> to vector<16xf32>
        %swap3A_86 = vector.shape_cast %mul3A_82 : vector<16xf32> to vector<1x16xf32>
        tpu.vector_store %arg11[%swap3A, %swap3A_83], %swap3A_86 {strides = array<i32>} : memref<80x16xf32, #tpu.memory_space<vmem>>, vector<1x16xf32>,
        %scan3A_87 = arith.constant 0 : i32
        scf.yield %scan3A_87 : i32
      }
      %scan3A_66 = arith.constant 80 : i32
      "tpu.region"() ({
        %run_scoped3A = tpu.sem_alloc : memref<!tpu.dma_semaphore, #tpu.memory_space<semaphore_mem>>
        %dma_start3A_68 = arith.constant 0 : i32
        %dma_start3A_69 = arith.constant 0 : i32
        %dma_start3A_70 = tpu.memref_slice %arg13[%dma_start3A_68, %dma_start3A_69] : memref<10240x16xf32, #tpu.memory_space<vmem_shared>> -> memref<10240x16xf32, #tpu.memory_space<vmem_shared>>
        tpu.enqueue_indirect_dma source(%arg11 : memref<80x16xf32, #tpu.memory_space<vmem>>) target(%dma_start3A_70 : memref<10240x16xf32, #tpu.memory_space<vmem_shared>>) offsets(%arg8 : memref<80xi32, #tpu.memory_space<vmem>>) semaphore(%run_scoped3A : memref<!tpu.dma_semaphore, #tpu.memory_space<semaphore_mem>>) {add = true}
        %dma_wait3A_71 = arith.constant 0 : i32
        %dma_wait3A_72 = arith.constant 0 : i32
        %dma_wait3A_73 = tpu.memref_slice %arg13[%dma_wait3A_71, %dma_wait3A_72] : memref<10240x16xf32, #tpu.memory_space<vmem_shared>> -> memref<10240x16xf32, #tpu.memory_space<vmem_shared>>
        tpu.wait_indirect_dma semaphore(%run_scoped3A : memref<!tpu.dma_semaphore, #tpu.memory_space<semaphore_mem>>) src(%arg11 : memref<80x16xf32, #tpu.memory_space<vmem>>) dst(%dma_wait3A_73 : memref<10240x16xf32, #tpu.memory_space<vmem_shared>>)
        tpu.yield
      }) : () -> ()
      %scan3A_67 = arith.constant 0 : i32
      scf.yield %scan3A_67 : i32
    }
    %scan3A_37 = arith.constant 125 : i32
    %barrier3A_38 = arith.constant 0 : index
    tpu.barrier barrier_id(%barrier3A_38)
    %mul3A_39 = arith.constant 640 : i32
    %mul3A_40 = arith.muli %arg1, %mul3A_39 : i32
    %multiple_of3A_41 = tpu.assume_multiple %mul3A_40, 8 : i32
    "tpu.region"() ({
      %run_scoped3A = tpu.sem_alloc : memref<!tpu.dma_semaphore, #tpu.memory_space<semaphore_mem>>
      %dma_start3A = arith.constant 0 : i32
      %dma_start3A_42 = tpu.memref_slice %arg6[%arg0, %multiple_of3A_41, %dma_start3A] : memref<2x10240x16xf32, #tpu.memory_space<hbm>> -> memref<1x640x16xf32, #tpu.memory_space<hbm>>
      %dma_start3A_43 = tpu.memref_squeeze %dma_start3A_42 : memref<1x640x16xf32, #tpu.memory_space<hbm>> -> memref<640x16xf32, #tpu.memory_space<hbm>>
      %dma_start3A_44 = arith.constant 0 : i32
      %dma_start3A_45 = tpu.memref_slice %arg13[%multiple_of3A_41, %dma_start3A_44] : memref<10240x16xf32, #tpu.memory_space<vmem_shared>> -> memref<640x16xf32, #tpu.memory_space<vmem_shared>>
      tpu.enqueue_dma source(%dma_start3A_45 : memref<640x16xf32, #tpu.memory_space<vmem_shared>>) target(%dma_start3A_43 : memref<640x16xf32, #tpu.memory_space<hbm>>) target_semaphore(%run_scoped3A : memref<!tpu.dma_semaphore, #tpu.memory_space<semaphore_mem>>)
      %dma_wait3A = arith.constant 0 : i32
      %dma_wait3A_46 = tpu.memref_slice %arg6[%arg0, %multiple_of3A_41, %dma_wait3A] : memref<2x10240x16xf32, #tpu.memory_space<hbm>> -> memref<1x640x16xf32, #tpu.memory_space<hbm>>
      %dma_wait3A_47 = tpu.memref_squeeze %dma_wait3A_46 : memref<1x640x16xf32, #tpu.memory_space<hbm>> -> memref<640x16xf32, #tpu.memory_space<hbm>>
      %dma_wait3A_48 = arith.constant 0 : i32
      %dma_wait3A_49 = tpu.memref_slice %arg13[%multiple_of3A_41, %dma_wait3A_48] : memref<10240x16xf32, #tpu.memory_space<vmem_shared>> -> memref<640x16xf32, #tpu.memory_space<vmem_shared>>
      tpu.wait_dma2 semaphore(%run_scoped3A : memref<!tpu.dma_semaphore, #tpu.memory_space<semaphore_mem>>) src(%dma_wait3A_49 : memref<640x16xf32, #tpu.memory_space<vmem_shared>>) dst(%dma_wait3A_47 : memref<640x16xf32, #tpu.memory_space<hbm>>)
      tpu.yield
    }) : () -> ()
    return
  }
}

module attributes {stable_mosaic.version = 14 : i64} {
  func.func @_tc1_body(%arg0: i32, %arg1: memref<2000x128xf32, #tpu.memory_space<vmem>>, %arg2: memref<128x128xf32, #tpu.memory_space<vmem>>, %arg3: memref<128x80xf32, #tpu.memory_space<vmem>>, %arg4: memref<128x80xf32, #tpu.memory_space<vmem>>, %arg5: memref<128x16xf32, #tpu.memory_space<vmem>>, %arg6: memref<2000x80xf32, #tpu.memory_space<vmem>>, %arg7: memref<2000x80xf32, #tpu.memory_space<vmem>>, %arg8: memref<2000x16xf32, #tpu.memory_space<vmem>>) attributes {dimension_semantics = [#tpu.dimension_semantics<arbitrary>], iteration_bounds = array<i64: 5>, scalar_prefetch = 0 : i64, scratch_operands = 0 : i64, tpu.core_type = #tpu.core_type<tc>, window_params = [{transform_indices = @transform_0, window_bounds = array<i64: 2000, 128>}, {pipeline_mode = #tpu.pipeline_mode<synchronous>, transform_indices = @transform_1, window_bounds = array<i64: 128, 128>}, {pipeline_mode = #tpu.pipeline_mode<synchronous>, transform_indices = @transform_2, window_bounds = array<i64: 128, 80>}, {pipeline_mode = #tpu.pipeline_mode<synchronous>, transform_indices = @transform_3, window_bounds = array<i64: 128, 80>}, {pipeline_mode = #tpu.pipeline_mode<synchronous>, transform_indices = @transform_4, window_bounds = array<i64: 128, 16>}, {transform_indices = @transform_5, window_bounds = array<i64: 2000, 80>}, {transform_indices = @transform_6, window_bounds = array<i64: 2000, 80>}, {transform_indices = @transform_7, window_bounds = array<i64: 2000, 16>}]} {
    %get3A = arith.constant 0 : index
    %get3A_0 = arith.constant 0 : index
    %get3A_1 = vector.load %arg1[%get3A, %get3A_0] : memref<2000x128xf32, #tpu.memory_space<vmem>>, vector<2000x128xf32>
    %get3A_2 = arith.constant 0 : index
    %get3A_3 = arith.constant 0 : index
    %get3A_4 = vector.load %arg2[%get3A_2, %get3A_3] : memref<128x128xf32, #tpu.memory_space<vmem>>, vector<128x128xf32>
    %dot_general3A = arith.constant dense<0.000000e+00> : vector<2000x128xf32>
    %dot_general3A_5 = tpu.matmul %get3A_1, %get3A_4, %dot_general3A {dimension_numbers = #tpu.dot_dimension_numbers<[1], [0], [0], [1], [0, 0, 1, 1], [], []>, transpose_lhs_hint = false} : vector<2000x128xf32>, vector<128x128xf32>, vector<2000x128xf32> -> vector<2000x128xf32>
    %get3A_6 = arith.constant 0 : index
    %get3A_7 = arith.constant 0 : index
    %get3A_8 = vector.load %arg3[%get3A_6, %get3A_7] : memref<128x80xf32, #tpu.memory_space<vmem>>, vector<128x80xf32>
    %dot_general3A_9 = arith.constant dense<0.000000e+00> : vector<2000x80xf32>
    %dot_general3A_10 = tpu.matmul %dot_general3A_5, %get3A_8, %dot_general3A_9 {dimension_numbers = #tpu.dot_dimension_numbers<[1], [0], [0], [1], [0, 0, 1, 1], [], []>, transpose_lhs_hint = false} : vector<2000x128xf32>, vector<128x80xf32>, vector<2000x80xf32> -> vector<2000x80xf32>
    %swap3A = arith.constant 0 : index
    %swap3A_11 = arith.constant 0 : index
    %swap3A_12 = vector.load %arg6[%swap3A, %swap3A_11] : memref<2000x80xf32, #tpu.memory_space<vmem>>, vector<2000x80xf32>
    tpu.vector_store %arg6[%swap3A, %swap3A_11], %dot_general3A_10 {strides = array<i32>} : memref<2000x80xf32, #tpu.memory_space<vmem>>, vector<2000x80xf32>,
    %get3A_13 = arith.constant 0 : index
    %get3A_14 = arith.constant 0 : index
    %get3A_15 = vector.load %arg4[%get3A_13, %get3A_14] : memref<128x80xf32, #tpu.memory_space<vmem>>, vector<128x80xf32>
    %dot_general3A_16 = arith.constant dense<0.000000e+00> : vector<2000x80xf32>
    %dot_general3A_17 = tpu.matmul %dot_general3A_5, %get3A_15, %dot_general3A_16 {dimension_numbers = #tpu.dot_dimension_numbers<[1], [0], [0], [1], [0, 0, 1, 1], [], []>, transpose_lhs_hint = false} : vector<2000x128xf32>, vector<128x80xf32>, vector<2000x80xf32> -> vector<2000x80xf32>
    %swap3A_18 = arith.constant 0 : index
    %swap3A_19 = arith.constant 0 : index
    %swap3A_20 = vector.load %arg7[%swap3A_18, %swap3A_19] : memref<2000x80xf32, #tpu.memory_space<vmem>>, vector<2000x80xf32>
    tpu.vector_store %arg7[%swap3A_18, %swap3A_19], %dot_general3A_17 {strides = array<i32>} : memref<2000x80xf32, #tpu.memory_space<vmem>>, vector<2000x80xf32>,
    %get3A_21 = arith.constant 0 : index
    %get3A_22 = arith.constant 0 : index
    %get3A_23 = vector.load %arg5[%get3A_21, %get3A_22] : memref<128x16xf32, #tpu.memory_space<vmem>>, vector<128x16xf32>
    %dot_general3A_24 = arith.constant dense<0.000000e+00> : vector<2000x16xf32>
    %dot_general3A_25 = tpu.matmul %dot_general3A_5, %get3A_23, %dot_general3A_24 {dimension_numbers = #tpu.dot_dimension_numbers<[1], [0], [0], [1], [0, 0, 1, 1], [], []>, transpose_lhs_hint = false} : vector<2000x128xf32>, vector<128x16xf32>, vector<2000x16xf32> -> vector<2000x16xf32>
    %swap3A_26 = arith.constant 0 : index
    %swap3A_27 = arith.constant 0 : index
    %swap3A_28 = vector.load %arg8[%swap3A_26, %swap3A_27] : memref<2000x16xf32, #tpu.memory_space<vmem>>, vector<2000x16xf32>
    tpu.vector_store %arg8[%swap3A_26, %swap3A_27], %dot_general3A_25 {strides = array<i32>} : memref<2000x16xf32, #tpu.memory_space<vmem>>, vector<2000x16xf32>,
    return
  }
  func.func @transform_0(%arg0: i32) -> (i32, i32) {
    %c0_i32 = arith.constant 0 : i32
    %c0_i32_0 = arith.constant 0 : i32
    return %arg0, %c0_i32 : i32, i32
  }
  func.func @transform_1(%arg0: i32) -> (i32, i32) {
    %c0_i32 = arith.constant 0 : i32
    %c0_i32_0 = arith.constant 0 : i32
    %c0_i32_1 = arith.constant 0 : i32
    return %c0_i32, %c0_i32_0 : i32, i32
  }
  func.func @transform_2(%arg0: i32) -> (i32, i32) {
    %c0_i32 = arith.constant 0 : i32
    %c0_i32_0 = arith.constant 0 : i32
    %c0_i32_1 = arith.constant 0 : i32
    return %c0_i32, %c0_i32_0 : i32, i32
  }
  func.func @transform_3(%arg0: i32) -> (i32, i32) {
    %c0_i32 = arith.constant 0 : i32
    %c0_i32_0 = arith.constant 0 : i32
    %c0_i32_1 = arith.constant 0 : i32
    return %c0_i32, %c0_i32_0 : i32, i32
  }
  func.func @transform_4(%arg0: i32) -> (i32, i32) {
    %c0_i32 = arith.constant 0 : i32
    %c0_i32_0 = arith.constant 0 : i32
    %c0_i32_1 = arith.constant 0 : i32
    return %c0_i32, %c0_i32_0 : i32, i32
  }
  func.func @transform_5(%arg0: i32) -> (i32, i32) {
    %c0_i32 = arith.constant 0 : i32
    %c0_i32_0 = arith.constant 0 : i32
    return %arg0, %c0_i32 : i32, i32
  }
  func.func @transform_6(%arg0: i32) -> (i32, i32) {
    %c0_i32 = arith.constant 0 : i32
    %c0_i32_0 = arith.constant 0 : i32
    return %arg0, %c0_i32 : i32, i32
  }
  func.func @transform_7(%arg0: i32) -> (i32, i32) {
    %c0_i32 = arith.constant 0 : i32
    %c0_i32_0 = arith.constant 0 : i32
    return %arg0, %c0_i32 : i32, i32
  }
}

module attributes {stable_mosaic.version = 14 : i64} {
  func.func @_tc2_body(%arg0: i32, %arg1: memref<2x2x2000x80xf32, #tpu.memory_space<vmem>>, %arg2: memref<80x128xf32, #tpu.memory_space<vmem>>, %arg3: memref<80x128xf32, #tpu.memory_space<vmem>>, %arg4: memref<80x128xf32, #tpu.memory_space<vmem>>, %arg5: memref<80x128xf32, #tpu.memory_space<vmem>>, %arg6: memref<128x16xf32, #tpu.memory_space<vmem>>, %arg7: memref<128x16xf32, #tpu.memory_space<vmem>>, %arg8: memref<1x128xf32, #tpu.memory_space<vmem>>, %arg9: memref<2000x16xf32, #tpu.memory_space<vmem>>, %arg10: memref<2000x16xf32, #tpu.memory_space<vmem>>) attributes {dimension_semantics = [#tpu.dimension_semantics<arbitrary>], iteration_bounds = array<i64: 5>, scalar_prefetch = 0 : i64, scratch_operands = 0 : i64, tpu.core_type = #tpu.core_type<tc>, window_params = [{transform_indices = @transform_0, window_bounds = array<i64: 2, 2, 2000, 80>}, {pipeline_mode = #tpu.pipeline_mode<synchronous>, transform_indices = @transform_1, window_bounds = array<i64: 80, 128>}, {pipeline_mode = #tpu.pipeline_mode<synchronous>, transform_indices = @transform_2, window_bounds = array<i64: 80, 128>}, {pipeline_mode = #tpu.pipeline_mode<synchronous>, transform_indices = @transform_3, window_bounds = array<i64: 80, 128>}, {pipeline_mode = #tpu.pipeline_mode<synchronous>, transform_indices = @transform_4, window_bounds = array<i64: 80, 128>}, {pipeline_mode = #tpu.pipeline_mode<synchronous>, transform_indices = @transform_5, window_bounds = array<i64: 128, 16>}, {pipeline_mode = #tpu.pipeline_mode<synchronous>, transform_indices = @transform_6, window_bounds = array<i64: 128, 16>}, {pipeline_mode = #tpu.pipeline_mode<synchronous>, transform_indices = @transform_7, window_bounds = array<i64: 1, 128>}, {transform_indices = @transform_8, window_bounds = array<i64: 2000, 16>}, {transform_indices = @transform_9, window_bounds = array<i64: 2000, 16>}]} {
    %get3A = arith.constant 0 : index
    %get3A_0 = arith.constant 0 : index
    %get3A_1 = arith.constant 0 : index
    %get3A_2 = arith.constant 0 : index
    %get3A_3 = vector.load %arg1[%get3A, %get3A_0, %get3A_1, %get3A_2] : memref<2x2x2000x80xf32, #tpu.memory_space<vmem>>, vector<1x1x2000x80xf32>
    %get3A_4 = vector.shape_cast %get3A_3 : vector<1x1x2000x80xf32> to vector<2000x80xf32>
    %get3A_5 = arith.constant 0 : index
    %get3A_6 = arith.constant 1 : index
    %get3A_7 = arith.constant 0 : index
    %get3A_8 = arith.constant 0 : index
    %get3A_9 = vector.load %arg1[%get3A_5, %get3A_6, %get3A_7, %get3A_8] : memref<2x2x2000x80xf32, #tpu.memory_space<vmem>>, vector<1x1x2000x80xf32>
    %get3A_10 = vector.shape_cast %get3A_9 : vector<1x1x2000x80xf32> to vector<2000x80xf32>
    %add3A = arith.addf %get3A_4, %get3A_10 : vector<2000x80xf32>
    %get3A_11 = arith.constant 1 : index
    %get3A_12 = arith.constant 0 : index
    %get3A_13 = arith.constant 0 : index
    %get3A_14 = arith.constant 0 : index
    %get3A_15 = vector.load %arg1[%get3A_11, %get3A_12, %get3A_13, %get3A_14] : memref<2x2x2000x80xf32, #tpu.memory_space<vmem>>, vector<1x1x2000x80xf32>
    %get3A_16 = vector.shape_cast %get3A_15 : vector<1x1x2000x80xf32> to vector<2000x80xf32>
    %get3A_17 = arith.constant 1 : index
    %get3A_18 = arith.constant 1 : index
    %get3A_19 = arith.constant 0 : index
    %get3A_20 = arith.constant 0 : index
    %get3A_21 = vector.load %arg1[%get3A_17, %get3A_18, %get3A_19, %get3A_20] : memref<2x2x2000x80xf32, #tpu.memory_space<vmem>>, vector<1x1x2000x80xf32>
    %get3A_22 = vector.shape_cast %get3A_21 : vector<1x1x2000x80xf32> to vector<2000x80xf32>
    %add3A_23 = arith.addf %get3A_16, %get3A_22 : vector<2000x80xf32>
    %get3A_24 = arith.constant 0 : index
    %get3A_25 = arith.constant 0 : index
    %get3A_26 = vector.load %arg2[%get3A_24, %get3A_25] : memref<80x128xf32, #tpu.memory_space<vmem>>, vector<80x128xf32>
    %dot_general3A = arith.constant dense<0.000000e+00> : vector<2000x128xf32>
    %dot_general3A_27 = tpu.matmul %add3A, %get3A_26, %dot_general3A {dimension_numbers = #tpu.dot_dimension_numbers<[1], [0], [0], [1], [0, 0, 1, 1], [], []>, transpose_lhs_hint = false} : vector<2000x80xf32>, vector<80x128xf32>, vector<2000x128xf32> -> vector<2000x128xf32>
    %get3A_28 = arith.constant 0 : index
    %get3A_29 = arith.constant 0 : index
    %get3A_30 = vector.load %arg3[%get3A_28, %get3A_29] : memref<80x128xf32, #tpu.memory_space<vmem>>, vector<80x128xf32>
    %dot_general3A_31 = arith.constant dense<0.000000e+00> : vector<2000x128xf32>
    %dot_general3A_32 = tpu.matmul %add3A_23, %get3A_30, %dot_general3A_31 {dimension_numbers = #tpu.dot_dimension_numbers<[1], [0], [0], [1], [0, 0, 1, 1], [], []>, transpose_lhs_hint = false} : vector<2000x80xf32>, vector<80x128xf32>, vector<2000x128xf32> -> vector<2000x128xf32>
    %add3A_33 = arith.addf %dot_general3A_27, %dot_general3A_32 : vector<2000x128xf32>
    %get3A_34 = arith.constant 0 : index
    %get3A_35 = arith.constant 0 : index
    %get3A_36 = vector.load %arg4[%get3A_34, %get3A_35] : memref<80x128xf32, #tpu.memory_space<vmem>>, vector<80x128xf32>
    %dot_general3A_37 = arith.constant dense<0.000000e+00> : vector<2000x128xf32>
    %dot_general3A_38 = tpu.matmul %add3A, %get3A_36, %dot_general3A_37 {dimension_numbers = #tpu.dot_dimension_numbers<[1], [0], [0], [1], [0, 0, 1, 1], [], []>, transpose_lhs_hint = false} : vector<2000x80xf32>, vector<80x128xf32>, vector<2000x128xf32> -> vector<2000x128xf32>
    %get3A_39 = arith.constant 0 : index
    %get3A_40 = arith.constant 0 : index
    %get3A_41 = vector.load %arg5[%get3A_39, %get3A_40] : memref<80x128xf32, #tpu.memory_space<vmem>>, vector<80x128xf32>
    %dot_general3A_42 = arith.constant dense<0.000000e+00> : vector<2000x128xf32>
    %dot_general3A_43 = tpu.matmul %add3A_23, %get3A_41, %dot_general3A_42 {dimension_numbers = #tpu.dot_dimension_numbers<[1], [0], [0], [1], [0, 0, 1, 1], [], []>, transpose_lhs_hint = false} : vector<2000x80xf32>, vector<80x128xf32>, vector<2000x128xf32> -> vector<2000x128xf32>
    %add3A_44 = arith.addf %dot_general3A_38, %dot_general3A_43 : vector<2000x128xf32>
    %add3A_45 = arith.constant 1.000000e-16 : f32
    %add3A_46 = vector.broadcast %add3A_45 : f32 to vector<2000x128xf32>
    %add3A_47 = arith.addf %add3A_44, %add3A_46 : vector<2000x128xf32>
    %div3A = arith.divf %add3A_33, %add3A_47 : vector<2000x128xf32>
    %get3A_48 = arith.constant 0 : index
    %get3A_49 = arith.constant 0 : index
    %get3A_50 = vector.load %arg8[%get3A_48, %get3A_49] : memref<1x128xf32, #tpu.memory_space<vmem>>, vector<1x128xf32>
    %add3A_51 = vector.broadcast %get3A_50 : vector<1x128xf32> to vector<2000x128xf32>
    %add3A_52 = arith.addf %div3A, %add3A_51 : vector<2000x128xf32>
    %max3A = arith.constant 0.000000e+00 : f32
    %max3A_53 = vector.broadcast %max3A : f32 to vector<2000x128xf32>
    %max3A_54 = arith.maximumf %add3A_52, %max3A_53 : vector<2000x128xf32>
    %iota3A = tpu.iota {dimensions = array<i32: 1>} : vector<1x16xi32>
    %eq3A = arith.constant 2 : i32
    %eq3A_55 = vector.broadcast %eq3A : i32 to vector<1x16xi32>
    %eq3A_56 = arith.cmpi eq, %iota3A, %eq3A_55 : vector<1x16xi32>
    %convert_element_type3A = arith.extui %eq3A_56 : vector<1x16xi1> to vector<1x16xi32>
    %convert_element_type3A_57 = arith.sitofp %convert_element_type3A : vector<1x16xi32> to vector<1x16xf32>
    %get3A_58 = arith.constant 0 : index
    %get3A_59 = arith.constant 0 : index
    %get3A_60 = vector.load %arg6[%get3A_58, %get3A_59] : memref<128x16xf32, #tpu.memory_space<vmem>>, vector<128x16xf32>
    %dot_general3A_61 = arith.constant dense<0.000000e+00> : vector<2000x16xf32>
    %dot_general3A_62 = tpu.matmul %max3A_54, %get3A_60, %dot_general3A_61 {dimension_numbers = #tpu.dot_dimension_numbers<[1], [0], [0], [1], [0, 0, 1, 1], [], []>, transpose_lhs_hint = false} : vector<2000x128xf32>, vector<128x16xf32>, vector<2000x16xf32> -> vector<2000x16xf32>
    %add3A_63 = vector.broadcast %convert_element_type3A_57 : vector<1x16xf32> to vector<2000x16xf32>
    %add3A_64 = arith.addf %dot_general3A_62, %add3A_63 : vector<2000x16xf32>
    %swap3A = arith.constant 0 : index
    %swap3A_65 = arith.constant 0 : index
    %swap3A_66 = vector.load %arg9[%swap3A, %swap3A_65] : memref<2000x16xf32, #tpu.memory_space<vmem>>, vector<2000x16xf32>
    tpu.vector_store %arg9[%swap3A, %swap3A_65], %add3A_64 {strides = array<i32>} : memref<2000x16xf32, #tpu.memory_space<vmem>>, vector<2000x16xf32>,
    %get3A_67 = arith.constant 0 : index
    %get3A_68 = arith.constant 0 : index
    %get3A_69 = vector.load %arg7[%get3A_67, %get3A_68] : memref<128x16xf32, #tpu.memory_space<vmem>>, vector<128x16xf32>
    %dot_general3A_70 = arith.constant dense<0.000000e+00> : vector<2000x16xf32>
    %dot_general3A_71 = tpu.matmul %max3A_54, %get3A_69, %dot_general3A_70 {dimension_numbers = #tpu.dot_dimension_numbers<[1], [0], [0], [1], [0, 0, 1, 1], [], []>, transpose_lhs_hint = false} : vector<2000x128xf32>, vector<128x16xf32>, vector<2000x16xf32> -> vector<2000x16xf32>
    %swap3A_72 = arith.constant 0 : index
    %swap3A_73 = arith.constant 0 : index
    %swap3A_74 = vector.load %arg10[%swap3A_72, %swap3A_73] : memref<2000x16xf32, #tpu.memory_space<vmem>>, vector<2000x16xf32>
    tpu.vector_store %arg10[%swap3A_72, %swap3A_73], %dot_general3A_71 {strides = array<i32>} : memref<2000x16xf32, #tpu.memory_space<vmem>>, vector<2000x16xf32>,
    return
  }
  func.func @transform_0(%arg0: i32) -> (i32, i32, i32, i32) {
    %c0_i32 = arith.constant 0 : i32
    %c0_i32_0 = arith.constant 0 : i32
    %c0_i32_1 = arith.constant 0 : i32
    %c0_i32_2 = arith.constant 0 : i32
    return %c0_i32, %c0_i32_0, %arg0, %c0_i32_1 : i32, i32, i32, i32
  }
  func.func @transform_1(%arg0: i32) -> (i32, i32) {
    %c0_i32 = arith.constant 0 : i32
    %c0_i32_0 = arith.constant 0 : i32
    %c0_i32_1 = arith.constant 0 : i32
    return %c0_i32, %c0_i32_0 : i32, i32
  }
  func.func @transform_2(%arg0: i32) -> (i32, i32) {
    %c0_i32 = arith.constant 0 : i32
    %c0_i32_0 = arith.constant 0 : i32
    %c0_i32_1 = arith.constant 0 : i32
    return %c0_i32, %c0_i32_0 : i32, i32
  }
  func.func @transform_3(%arg0: i32) -> (i32, i32) {
    %c0_i32 = arith.constant 0 : i32
    %c0_i32_0 = arith.constant 0 : i32
    %c0_i32_1 = arith.constant 0 : i32
    return %c0_i32, %c0_i32_0 : i32, i32
  }
  func.func @transform_4(%arg0: i32) -> (i32, i32) {
    %c0_i32 = arith.constant 0 : i32
    %c0_i32_0 = arith.constant 0 : i32
    %c0_i32_1 = arith.constant 0 : i32
    return %c0_i32, %c0_i32_0 : i32, i32
  }
  func.func @transform_5(%arg0: i32) -> (i32, i32) {
    %c0_i32 = arith.constant 0 : i32
    %c0_i32_0 = arith.constant 0 : i32
    %c0_i32_1 = arith.constant 0 : i32
    return %c0_i32, %c0_i32_0 : i32, i32
  }
  func.func @transform_6(%arg0: i32) -> (i32, i32) {
    %c0_i32 = arith.constant 0 : i32
    %c0_i32_0 = arith.constant 0 : i32
    %c0_i32_1 = arith.constant 0 : i32
    return %c0_i32, %c0_i32_0 : i32, i32
  }
  func.func @transform_7(%arg0: i32) -> (i32, i32) {
    %c0_i32 = arith.constant 0 : i32
    %c0_i32_0 = arith.constant 0 : i32
    %c0_i32_1 = arith.constant 0 : i32
    return %c0_i32, %c0_i32_0 : i32, i32
  }
  func.func @transform_8(%arg0: i32) -> (i32, i32) {
    %c0_i32 = arith.constant 0 : i32
    %c0_i32_0 = arith.constant 0 : i32
    return %arg0, %c0_i32 : i32, i32
  }
  func.func @transform_9(%arg0: i32) -> (i32, i32) {
    %c0_i32 = arith.constant 0 : i32
    %c0_i32_0 = arith.constant 0 : i32
    return %arg0, %c0_i32 : i32, i32
  }
}

module attributes {stable_mosaic.version = 14 : i64} {
  func.func @_tc3_body(%arg0: i32, %arg1: memref<2x2000x16xf32, #tpu.memory_space<vmem>>, %arg2: memref<16x2xf32, #tpu.memory_space<vmem>>, %arg3: memref<16x2xf32, #tpu.memory_space<vmem>>, %arg4: memref<1x2xf32, #tpu.memory_space<vmem>>, %arg5: memref<2000x2xf32, #tpu.memory_space<vmem>>) attributes {dimension_semantics = [#tpu.dimension_semantics<arbitrary>], iteration_bounds = array<i64: 5>, scalar_prefetch = 0 : i64, scratch_operands = 0 : i64, tpu.core_type = #tpu.core_type<tc>, window_params = [{transform_indices = @transform_0, window_bounds = array<i64: 2, 2000, 16>}, {pipeline_mode = #tpu.pipeline_mode<synchronous>, transform_indices = @transform_1, window_bounds = array<i64: 16, 2>}, {pipeline_mode = #tpu.pipeline_mode<synchronous>, transform_indices = @transform_2, window_bounds = array<i64: 16, 2>}, {pipeline_mode = #tpu.pipeline_mode<synchronous>, transform_indices = @transform_3, window_bounds = array<i64: 1, 2>}, {transform_indices = @transform_4, window_bounds = array<i64: 2000, 2>}]} {
    %get3A = arith.constant 0 : index
    %get3A_0 = arith.constant 0 : index
    %get3A_1 = arith.constant 0 : index
    %get3A_2 = vector.load %arg1[%get3A, %get3A_0, %get3A_1] : memref<2x2000x16xf32, #tpu.memory_space<vmem>>, vector<1x2000x16xf32>
    %get3A_3 = vector.shape_cast %get3A_2 : vector<1x2000x16xf32> to vector<2000x16xf32>
    %get3A_4 = arith.constant 1 : index
    %get3A_5 = arith.constant 0 : index
    %get3A_6 = arith.constant 0 : index
    %get3A_7 = vector.load %arg1[%get3A_4, %get3A_5, %get3A_6] : memref<2x2000x16xf32, #tpu.memory_space<vmem>>, vector<1x2000x16xf32>
    %get3A_8 = vector.shape_cast %get3A_7 : vector<1x2000x16xf32> to vector<2000x16xf32>
    %add3A = arith.addf %get3A_3, %get3A_8 : vector<2000x16xf32>
    %get3A_9 = arith.constant 0 : index
    %get3A_10 = arith.constant 0 : index
    %get3A_11 = vector.load %arg2[%get3A_9, %get3A_10] : memref<16x2xf32, #tpu.memory_space<vmem>>, vector<16x2xf32>
    %dot_general3A = arith.constant dense<0.000000e+00> : vector<2000x2xf32>
    %dot_general3A_12 = tpu.matmul %add3A, %get3A_11, %dot_general3A {dimension_numbers = #tpu.dot_dimension_numbers<[1], [0], [0], [1], [0, 0, 1, 1], [], []>, transpose_lhs_hint = false} : vector<2000x16xf32>, vector<16x2xf32>, vector<2000x2xf32> -> vector<2000x2xf32>
    %get3A_13 = arith.constant 0 : index
    %get3A_14 = arith.constant 0 : index
    %get3A_15 = vector.load %arg3[%get3A_13, %get3A_14] : memref<16x2xf32, #tpu.memory_space<vmem>>, vector<16x2xf32>
    %dot_general3A_16 = arith.constant dense<0.000000e+00> : vector<2000x2xf32>
    %dot_general3A_17 = tpu.matmul %add3A, %get3A_15, %dot_general3A_16 {dimension_numbers = #tpu.dot_dimension_numbers<[1], [0], [0], [1], [0, 0, 1, 1], [], []>, transpose_lhs_hint = false} : vector<2000x16xf32>, vector<16x2xf32>, vector<2000x2xf32> -> vector<2000x2xf32>
    %add3A_18 = arith.constant 1.000000e-16 : f32
    %add3A_19 = vector.broadcast %add3A_18 : f32 to vector<2000x2xf32>
    %add3A_20 = arith.addf %dot_general3A_17, %add3A_19 : vector<2000x2xf32>
    %div3A = arith.divf %dot_general3A_12, %add3A_20 : vector<2000x2xf32>
    %get3A_21 = arith.constant 0 : index
    %get3A_22 = arith.constant 0 : index
    %get3A_23 = vector.load %arg4[%get3A_21, %get3A_22] : memref<1x2xf32, #tpu.memory_space<vmem>>, vector<1x2xf32>
    %add3A_24 = vector.broadcast %get3A_23 : vector<1x2xf32> to vector<2000x2xf32>
    %add3A_25 = arith.addf %div3A, %add3A_24 : vector<2000x2xf32>
    %swap3A = arith.constant 0 : index
    %swap3A_26 = arith.constant 0 : index
    %swap3A_27 = vector.load %arg5[%swap3A, %swap3A_26] : memref<2000x2xf32, #tpu.memory_space<vmem>>, vector<2000x2xf32>
    tpu.vector_store %arg5[%swap3A, %swap3A_26], %add3A_25 {strides = array<i32>} : memref<2000x2xf32, #tpu.memory_space<vmem>>, vector<2000x2xf32>,
    return
  }
  func.func @transform_0(%arg0: i32) -> (i32, i32, i32) {
    %c0_i32 = arith.constant 0 : i32
    %c0_i32_0 = arith.constant 0 : i32
    %c0_i32_1 = arith.constant 0 : i32
    return %c0_i32, %arg0, %c0_i32_0 : i32, i32, i32
  }
  func.func @transform_1(%arg0: i32) -> (i32, i32) {
    %c0_i32 = arith.constant 0 : i32
    %c0_i32_0 = arith.constant 0 : i32
    %c0_i32_1 = arith.constant 0 : i32
    return %c0_i32, %c0_i32_0 : i32, i32
  }
  func.func @transform_2(%arg0: i32) -> (i32, i32) {
    %c0_i32 = arith.constant 0 : i32
    %c0_i32_0 = arith.constant 0 : i32
    %c0_i32_1 = arith.constant 0 : i32
    return %c0_i32, %c0_i32_0 : i32, i32
  }
  func.func @transform_3(%arg0: i32) -> (i32, i32) {
    %c0_i32 = arith.constant 0 : i32
    %c0_i32_0 = arith.constant 0 : i32
    %c0_i32_1 = arith.constant 0 : i32
    return %c0_i32, %c0_i32_0 : i32, i32
  }
  func.func @transform_4(%arg0: i32) -> (i32, i32) {
    %c0_i32 = arith.constant 0 : i32
    %c0_i32_0 = arith.constant 0 : i32
    return %arg0, %c0_i32 : i32, i32
  }
}

</mosaic_0001>

<sc_bundles>
// kernel: kernel.10.cloned.1.call-start
scs
__scs_entry_jumppad:
0x0: {  	(pc) =	sbr.rel $0x88, $3  }
0x1: {  	(tag) =	ssettag $0x0;
	lr =	simm.s32 $0x1  }
0x2: {  	[smem:$0x3F97] =	sst lr;
	_ =	strace $0xD0000000  }
0x3: {  	_ = 	snop  }
0x4: {  	_ = 	snop  }
0x5: {  	_ = 	snop  }
0x6: {  	_ = 	snop  }
0x7: {  	_ = 	snop  }
__scs_overlays_trampoline_lowered:
0x8: {  	[smem:$0x3FA6] =	sst s0  }
0x9: {  	[smem:$0x3FA7] =	sst s1  }
0xa: {  	[smem:$0x3FA8] =	sst s2  }
0xb: {  	[smem:$0x3FA9] =	sst s3  }
0xc: {  	[smem:$0x3FAA] =	sst s4  }
0xd: {  	[smem:$0x3FAB] =	sst s5  }
0xe: {  	[smem:$0x3FAC] =	sst s6  }
0xf: {  	[smem:$0x3FAD] =	sst s7  }
0x10: {  	[smem:$0x3FAE] =	sst s8  }
0x11: {  	[smem:$0x3FAF] =	sst s9;
	s0 =	simm.s32 @!p0 $0x0  }
0x12: {  	s1 =	sld [smem:$0x3F95];
	s0 =	simm.s32 @p0 $0x1  }
0x13: {  	[smem:$0x3FB0] =	sst s0;
	s0 =	simm.s32 @!p1 $0x0  }
0x14: {  	s2 =	sld [smem:$0x3F94];
	s0 =	simm.s32 @p1 $0x1  }
0x15: {  	[smem:$0x3FB1] =	sst s0;
	s0 =	simm.s32 @!p2 $0x0  }
0x16: {  	s3 =	sld [smem:$0x3FDB];
	s0 =	simm.s32 @p2 $0x1  }
0x17: {  	s4 =	simm.s32 $0x1BF5;
	[smem:$0x3FB3] =	sst s0  }
0x18: {  	s0 =	sld [smem:$0x3F96];
	_ =	swait.ge [sflag:s4], $0x0  }
0x19: {  	s7 =	sld [smem:$0x3F97]  }
0x1a: {  	s8 =	sadd.s32 $0xFFFFE003, lr  }
0x1b: {  	s9 =	sadd.s32 $0xFFFFFEF7, lr;
	s5 =	simm.s32 $0xFFFFFFFF;
	p2 =	slt.u32 s8, $0xFFFFF086  }
0x1c: {  	p1 =	slt.u32 s9, $0xF7A;
	s5 =	simm.s32 @!p2 $0x0  }
0x1d: {  	s5 =	simm.s32 @p1 $0x1;
	p0 =	seq.s32 s7, s2  }
0x1e: {  	s7 =	smul.u32 @!p0 $0xF7A, s2;
	p2 =	seq.s32 @!p0 s5, $0x0  }
0x1f: {  	s9 =	smul.u32 $0xF7A, s1;
	s8 =	simm.s32 @!p0 $0x1BF5;
	p2 =	por !p2, p0  }
0x20: {  	[sflag:s8] =	ssyncset.s32 @!p0 $0xFFFFF086;
	s6 =	sadd.s32 @!p0 s3, s7;
	s7 =	simm.s32 @!p0 $0x108  }
0x21: {  	s3 =	sadd.s32 s3, s9;
	s6 =	sadd.s32 @!p0 $0x88, s6;
	s7 =	simm.s32 @p2 $0x1082  }
0x22: {  	[simem:s7], [sflag:s8] =	dma.local @!p0 [hbm:s6], $0xF7A  }
0x23: {  	s9 =	sor.u32 $0xD0000000, s2;
	s6 =	simm.s32 $0x108;
	_ =	swait.ge @!p0 [sflag:s8], $0x0  }
0x24: {  	s3 =	sadd.s32 $0x88, s3;
	s6 =	simm.s32 @!p1 $0x1082;
	[sflag:s4] =	ssyncset.s32 $0xFFFFF086  }
0x25: {  	[simem:s6], [sflag:s4] =	dma.local [hbm:s3], $0xF7A  }
0x26: {  	[smem:$0x3F97] =	sst s1;
	(tag) =	ssettag s2;
	_ =	strace s9  }
0x27: {  	s1 =	sld [smem:$0x3FA7]  }
0x28: {  	s2 =	sld [smem:$0x3FA8]  }
0x29: {  	s4 =	sld [smem:$0x3FAA]  }
0x2a: {  	p0 =	seq.s32 s5, $0x0;
	s5 =	sld [smem:$0x3FAB]  }
0x2b: {  	s6 =	sld [smem:$0x3FAC]  }
0x2c: {  	s7 =	sld [smem:$0x3FAD]  }
0x2d: {  	s3 =	simm.s32 $0x108;
	s8 =	sld [smem:$0x3FAE]  }
0x2e: {  	s3 =	simm.s32 @!p0 $0x1082;
	s9 =	sld [smem:$0x3FAF]  }
0x2f: {  	lr =	sadd.s32 s0, s3;
	s0 =	sld [smem:$0x3FA6]  }
0x30: {  	s3 =	sld [smem:$0x3FA9]  }
0x31: {  	[smem:$0x3FB2] =	sst s10  }
0x32: {  	s10 =	sld [smem:$0x3FB0];
	_ =	sdelay $0x3  }
0x33: {  	p0 =	seq.s32 s10, $0x1;
	s10 =	sld [smem:$0x3FB2];
	_ =	sdelay $0x3  }
0x34: {  	[smem:$0x3FB2] =	sst s10  }
0x35: {  	s10 =	sld [smem:$0x3FB1];
	_ =	sdelay $0x3  }
0x36: {  	p1 =	seq.s32 s10, $0x1;
	s10 =	sld [smem:$0x3FB2];
	_ =	sdelay $0x3  }
0x37: {  	[smem:$0x3FB2] =	sst s10  }
0x38: {  	s10 =	sld [smem:$0x3FB3]  }
0x39: {  	_ = 	snop;
	(pc) =	sbr.ind lr, $3  }
0x3a: {  	_ = 	snop  }
0x3b: {  	_ = 	snop  }
0x3c: {  	p2 =	seq.s32 s10, $0x1;
	s10 =	sld [smem:$0x3FB2]  }
0x3d: {  	_ =	shalt  }
0x3e: {  	_ =	shalt  }
0x3f: {  	_ =	shalt  }
0x40: {  	_ =	shalt  }
0x41: {  	_ =	shalt  }
0x42: {  	_ =	shalt  }
0x43: {  	_ =	shalt  }
0x44: {  	_ =	shalt  }
0x45: {  	_ =	shalt  }
0x46: {  	_ =	shalt  }
0x47: {  	_ =	shalt  }
0x48: {  	_ =	shalt  }
0x49: {  	_ =	shalt  }
0x4a: {  	_ =	shalt  }
0x4b: {  	_ =	shalt  }
0x4c: {  	_ =	shalt  }
0x4d: {  	_ =	shalt  }
0x4e: {  	_ =	shalt  }
0x4f: {  	_ =	shalt  }
0x50: {  	_ =	shalt  }
0x51: {  	_ =	shalt  }
0x52: {  	_ =	shalt  }
0x53: {  	_ =	shalt  }
0x54: {  	_ =	shalt  }
0x55: {  	_ =	shalt  }
0x56: {  	_ =	shalt  }
0x57: {  	_ =	shalt  }
0x58: {  	_ =	shalt  }
0x59: {  	_ =	shalt  }
0x5a: {  	_ =	shalt  }
0x5b: {  	_ =	shalt  }
0x5c: {  	_ =	shalt  }
0x5d: {  	_ =	shalt  }
0x5e: {  	_ =	shalt  }
0x5f: {  	_ =	shalt  }
0x60: {  	_ =	shalt  }
0x61: {  	_ =	shalt  }
0x62: {  	_ =	shalt  }
0x63: {  	_ =	shalt  }
0x64: {  	_ =	shalt  }
0x65: {  	_ =	shalt  }
0x66: {  	_ =	shalt  }
0x67: {  	_ =	shalt  }
0x68: {  	_ =	shalt  }
0x69: {  	_ =	shalt  }
0x6a: {  	_ =	shalt  }
0x6b: {  	_ =	shalt  }
0x6c: {  	_ =	shalt  }
0x6d: {  	_ =	shalt  }
0x6e: {  	_ =	shalt  }
0x6f: {  	_ =	shalt  }
0x70: {  	_ =	shalt  }
0x71: {  	_ =	shalt  }
0x72: {  	_ =	shalt  }
0x73: {  	_ =	shalt  }
0x74: {  	_ =	shalt  }
0x75: {  	_ =	shalt  }
0x76: {  	_ =	shalt  }
0x77: {  	_ =	shalt  }
0x78: {  	_ =	shalt  }
0x79: {  	_ =	shalt  }
0x7a: {  	_ =	shalt  }
0x7b: {  	_ =	shalt  }
0x7c: {  	_ =	shalt  }
0x7d: {  	_ =	shalt  }
0x7e: {  	_ =	shalt  }
0x7f: {  	_ =	shalt  }
0x80: {  	_ =	shalt  }
0x81: {  	_ =	shalt  }
0x82: {  	_ =	shalt  }
0x83: {  	_ =	shalt  }
0x84: {  	_ =	shalt  }
0x85: {  	_ =	shalt  }
0x86: {  	_ =	shalt  }
0x87: {  	_ =	shalt  }
.Lfunc_end0:
.L_simem_size_0:
called_computation.1_lowered:
.L_overlay_start_0:
0x88: {  	s2 =	sld [smem:$0x3FD9]  }
0x89: {  	s3 =	sld [smem:$0x3FFE];
	_ =	sdelay $0x1  }
0x8a: {  	s1 =	srdreg.scid  }
0x8b: {  	s0 =	sand.u32 $0x1, s1  }
0x8c: {  	s16 =	sshll.u32 s0, $0xA;
	s2 =	sadd.s32 s3, s2  }
0x8d: {  	s2 =	sadd.s32 s2, s16  }
0x8e: {  	[smem:$0x3FBE] =	sst s2  }
0x8f: {  	_ = 	snop  }
0x90: {  	(tm) =	ssettm $0x1  }
0x91: {  	s17 =	sld [smem:$0x3FFB];
	_ =	sdelay $0x3  }
0x92: {  	_ =	strace s17  }
0x93: {  	s2 =	sld [smem:$0x3FFC];
	_ =	sdelay $0x3  }
0x94: {  	_ =	strace s2  }
0x95: {  	s2 =	sld [smem:$0x3FFD];
	_ =	sdelay $0x3  }
0x96: {  	_ =	strace s2  }
0x97: {  	_ =	strace $0x8FFFFFFF  }
0x98: {  	s18 =	sld [smem:$0x3FDB];
	_ =	sdelay $0x1  }
0x99: {  	s19 =	simm.s32 $_scs_section_size  }
0x9a: {  	s4 =	simm.s32 $_size__tile_overlayer_lowered;
	s5 =	simm.s32 $_tile_overlayer_lowered  }
0x9b: {  	s22 =	simm.s32 $0x1BFF;
	s21 =	sshll.u32 s5, $0x1;
	s2 =	sadd.s32 s19, s18  }
0x9c: {  	s6 =	simm.s32 $0x0;
	s20 =	sshll.u32 s4, $0x1;
	s4 =	sadd.s32 s21, s2  }
0x9d: {  	[timem:s6], [sflag:s22] =	dma.local [hbm:s4], s20  }
0x9e: {  	_ =	swait.ge [sflag:s22], s20  }
0x9f: {  	s3 =	ssub.s32 $0x0, s20;
	[sflag:s22] =	ssyncset.done $0x0  }
0xa0: {  	[sflag:s22] =	ssyncadd.s32 s3;
	_ =	sdelay $0x1  }
0xa1: {  	s23 =	simm.s32 $0x1B8B  }
0xa2: {  	_ =	swait.ge [sflag:s23], $0x1  }
0xa3: {  	[sflag:s23] =	ssyncset.done $0x0  }
0xa4: {  	s25 =	simm.s32 $0x1B8E;
	s24 =	sld [smem:$0x3FFE];
	[sflag:s23] =	ssyncadd.s32 $0xFFFFFFFF  }
0xa5: {  	s26 =	simm.s32 $execute0_lowered;
	[smem:$0x3FD2] =	sst s25  }
0xa6: {  	s4 =	sshll.u32 s26, $0x1;
	_ =	strace $0x80000049;
	[dreg:$0x1] =	wrdreg $0xFFFFFFFF  }
0xa7: {  	s28 =	simm.s32 $_size_execute0_lowered;
	s2 =	sadd.s32 s2, s4;
	[dreg:$0x0] =	wrdreg $0x0  }
0xa8: {  	s4 =	sshll.u32 s28, $0x1;
	[dreg:$0x2] =	wrdreg s2  }
0xa9: {  	[dreg:$0x3] =	wrdreg s4  }
0xaa: {  	[dreg:$0x4] =	wrdreg $0xC0  }
0xab: {  	_ =	task [dreg:s6], $0x5FFFF  }
0xac: {  	[dreg:$0x1] =	wrdreg $0xFFFFFFFF  }
0xad: {  	[dreg:$0x0] =	wrdreg $0x60  }
0xae: {  	[dreg:$0x2] =	wrdreg s24  }
0xaf: {  	[dreg:$0x3] =	wrdreg $0x17A00  }
0xb0: {  	[dreg:$0x4] =	wrdreg $0x9  }
0xb1: {  	_ =	task.clear_ibuf [dreg:s6], $0x5FFFF;
	_ =	strace $0x90000049  }
0xb2: {  	s29 =	simm.s32 $0x9;
	_ =	strace $0x8000004B  }
0xb3: {  	_ =	swait.ge [sflag:s29], $0x1  }
0xb4: {  	[sflag:s29] =	ssyncadd.s32 $0xFFFFFFFF  }
0xb5: {  	_ =	strace $0x9000004B  }
0xb6: {  	_ =	sfence  }
0xb7: {  	s30 =	sld [smem:$0x0];
	_ =	sdelay $0x2  }
0xb8: {  	s31 =	sshll.u32 s1, $0xD;
	s1 =	sshrl.u32 s1, $0x2  }
0xb9: {  	s3 =	sand.u32 $0x4000, s31;
	s1 =	sadd.s32 s1, s30  }
0xba: {  	s0 =	sor.u32 s3, s0;
	s1 =	sshll.u32 s1, $0x11  }
0xbb: {  	s0 =	sor.u32 s1, s0  }
0xbc: {  	s0 =	sadd.s32 $0x8F2B, s0  }
0xbd: {  	[sflag:s0] =	ssyncadd.remote.s32 $0x1  }
0xbe: {  	_ =	sfence.sel $0xFFFF  }
0xbf: {  	[dreg:$0x0] =	wrdreg $0xFFFFFFFF;
	(pc) =	sbr.abs _section_cstart, $3  }
0xc0: {  	[dreg:$0x1] =	wrdreg $0xFFFFFFFF  }
0xc1: {  	_ =	task.clear_ibuf [dreg:s6], $0x2FFFF;
	_ =	strace $0x9FFFFFFF  }
0xc2: {  	(tm) =	ssettm $0x7FFFFFFF  }
0xc3: {  	_ =	shalt  }
tec
execute0_lowered:
.L_overlay_start_1:
0x0: {  	(tag) =	ssettag $0x1  }
0x1: {  	s8 =	rddreg [dreg:$0x0]  }
0x2: {  	s2 =	rddreg [dreg:$0x1]  }
0x3: {  	s4 =	srdreg.scid;
	s1 =	stileid.u32;
	s3 =	simm.s32 $0x0  }
0x4: {  	s16 =	simm.s32 $0xFA0;
	s17 =	simm.s32 $0x3;
	s18 =	simm.s32 $0x50  }
0x5: {  	s19 =	simm.s32 $0xA0;
	s20 =	simm.s32 $0x5A0;
	s21 =	simm.s32 $0x1  }
0x6: {  	s22 =	simm.s32 $0x2;
	s23 =	simm.s32 $0xAA0;
	s9 =	sand.u32 $0x1, s4  }
0x7: {  	s10 =	smul.u32 $0x2800, s1;
	[smem:$0x7FF] =	sst s3;
	s4 =	sadd.s32 $0x7600, s8  }
0x8: {  	s5 =	sadd.s32 $0x2600, s8;
	s6 =	sadd.s32 $0x42400, s8;
	s13 =	smul.u32 $0xA000, s1  }
0x9: {  	s7 =	smul.u32 $0x28000, s9;
	_ =	strace $0x8000004A;
	s12 =	ssub.s32 $0x2, s9  }
0xa: {  	s28 =	sshll.u32 s9, $0x4;
	s26 =	sshrl.u32 s12, $0x1;
	s29 =	sshrl.u32 s13, $0x2  }
0xb: {  	s30 =	sor.u32 s1, s28;
	s7 =	sadd.s32 s10, s7;
	s15 =	ssub.s32 s12, s26  }
0xc: {  	s31 =	sadd.s32 s29, s2;
	s13 =	smul.u32 $0x2710, s30;
	s11 =	sshrl.u32 s7, $0x3  }
0xd: {  	s7 =	sadd.s32 $0x38600, s8;
	s9 =	sadd.s32 $0x800, s31;
	s12 =	sadd.s32 $0x2000, s31  }
0xe: {  	s15 =	smax.u32 s15, $0x1;
	s14 =	sadd.s32 s11, s8;
	s8 =	sadd.s32 s10, s2  }
0xf: {  	v0 =	vimm.f32 $0.0e+00;
	s10 =	sadd.s32 $0x1000, s31;
	s11 =	sadd.s32 $0x1800, s31;
	s14 =	sadd.s32 $0xC600, s14  }
.LBB2_1:
0x10: {  	s24 =	simm.s32 $0x40;
	s25 =	simm.s32 $0x0  }
.LBB2_2:
0x11: {  	p0 =	sne.s32 s24, $0x1FC0;
	[tilespmem:s25+$0xFA0] =	vst v0;
	s25 =	smov.u32 s24;
	s24 =	sadd.s32 $0x40, s24  }
.Ltmp0:
0x12: {  	(pc) =	sbr.rel @p0 .LBB2_2-.Ltmp0, $2  }
0x13: {  	_ =	sdelay $0x2  }
0x14: {  	s25 =	sshra.s32 s25, $0x2  }
0x15: {  	[tilespmem:s25+$0xFA0] =	vst v0  }
0x16: {  	[spmem:s8] =	stream.linear.scatter [tilespmem:s16], [sflag:$0x3], $0x800, $0x38;
	[tilespmem:$0x3FA0] =	vst v63  }
0x17: {  	_ =	swait.ge [sflag:s17], $0x800  }
0x18: {  	[sflag:s17] =	ssyncset.done $0x0  }
0x19: {  	[sflag:s17] =	ssyncadd.s32 $0xFFFFF800  }
0x1a: {  	[spmem:s9] =	stream.linear.scatter [tilespmem:s16], [sflag:$0x3], $0x800, $0x38;
	[tilespmem:$0x3FA0] =	vst v63  }
0x1b: {  	_ =	swait.ge [sflag:s17], $0x800  }
0x1c: {  	[sflag:s17] =	ssyncset.done $0x0  }
0x1d: {  	[sflag:s17] =	ssyncadd.s32 $0xFFFFF800  }
0x1e: {  	[spmem:s10] =	stream.linear.scatter [tilespmem:s16], [sflag:$0x3], $0x800, $0x38;
	[tilespmem:$0x3FA0] =	vst v63  }
0x1f: {  	_ =	swait.ge [sflag:s17], $0x800  }
0x20: {  	[sflag:s17] =	ssyncset.done $0x0  }
0x21: {  	[sflag:s17] =	ssyncadd.s32 $0xFFFFF800  }
0x22: {  	[spmem:s11] =	stream.linear.scatter [tilespmem:s16], [sflag:$0x3], $0x800, $0x38;
	[tilespmem:$0x3FA0] =	vst v63  }
0x23: {  	_ =	swait.ge [sflag:s17], $0x800  }
0x24: {  	[sflag:s17] =	ssyncset.done $0x0  }
0x25: {  	[sflag:s17] =	ssyncadd.s32 $0xFFFFF800  }
0x26: {  	[spmem:s12] =	stream.linear.scatter [tilespmem:s16], [sflag:$0x3], $0x800, $0x38;
	[tilespmem:$0x3FA0] =	vst v63  }
0x27: {  	_ =	swait.ge [sflag:s17], $0x800  }
0x28: {  	[sflag:s17] =	ssyncset.done $0x0  }
0x29: {  	[sflag:s17] =	ssyncadd.s32 $0xFFFFF800  }
0x2a: {  	s24 =	simm.s32 $0x0;
	s25 =	simm.s32 $0x0;
	[bflag:$0x0] =	sbarrier.arrive $0xFFFF  }
.LBB2_4:
0x2b: {  	s26 =	smul.u32 $0x50, s25;
	_ =	sdelay $0x1  }
0x2c: {  	s26 =	sadd.s32 s13, s26  }
0x2d: {  	s26 =	sshrl.u32 s26, $0x3  }
0x2e: {  	s28 =	sadd.s32 s6, s26  }
0x2f: {  	[tilespmem:s24], [sflag:$0x3] =	stream.linear.gather [hbm4b:s28+s24], $0x50, $0x38;
	[tilespmem:$0x3FA0] =	vst v63  }
0x30: {  	_ =	swait.ge [sflag:s17], $0x50  }
0x31: {  	[sflag:s17] =	ssyncset.done $0x0  }
0x32: {  	s26 =	sadd.s32 s7, s26;
	[sflag:s17] =	ssyncadd.s32 $0xFFFFFFB0  }
0x33: {  	[tilespmem:s18], [sflag:$0x3] =	stream.linear.gather [hbm4b:s26+s24], $0x50, $0x38;
	[tilespmem:$0x3FA0] =	vst v63  }
0x34: {  	_ =	swait.ge [sflag:s17], $0x50  }
0x35: {  	[sflag:s17] =	ssyncset.done $0x0  }
0x36: {  	[sflag:s17] =	ssyncadd.s32 $0xFFFFFFB0  }
0x37: {  	[tilespmem:s19], [sflag:$0x1] =	stream.indirect.gather [hbm4b:s4+s18], $0x10, s24, s18, $0xb8;
	[tilespmem:$0x3FA0] =	vst v63  }
0x38: {  	_ = 	snop  }
0x39: {  	[tilespmem:s20], [sflag:$0x2] =	stream.indirect.gather [hbm4b:s5+s18], $0x10, s18, s18, $0xb8;
	[tilespmem:$0x3FA0] =	vst v63  }
0x3a: {  	_ =	swait.ge [sflag:s21], $0x500  }
0x3b: {  	[sflag:s21] =	ssyncset.done $0x0  }
0x3c: {  	[sflag:s21] =	ssyncadd.s32 $0xFFFFFB00  }
0x3d: {  	_ =	swait.ge [sflag:s22], $0x500  }
0x3e: {  	[sflag:s22] =	ssyncset.done $0x0  }
0x3f: {  	s26 =	simm.s32 $0x0;
	[sflag:s22] =	ssyncadd.s32 $0xFFFFFB00  }
0x40: {  	v1 =	vld [tilespmem:s26+$0xA0]  }
0x41: {  	v2 =	vld [tilespmem:s26+$0x5A0];
	_ =	sdelay $0x4  }
0x42: {  	s28 =	simm.s32 $0x10;
	v3 =	vadd.f32 v2, v1  }
0x43: {  	v5 =	vld [tilespmem:s28+$0x5A0]  }
0x44: {  	v2 =	vld [tilespmem:s28+$0xA0];
	v4 =	vmul.f32 $2.000000030e-01, v3;
	_ =	sdelay $0x1  }
0x45: {  	v3 =	vmax.f32 v3, v4  }
0x46: {  	v4 =	vmul.f32 $1.442695020e+00, v3  }
0x47: {  	s29 =	simm.s32 $0x20  }
0x48: {  	v6 =	vld [tilespmem:s29+$0x5A0];
	(erf) = vpow2.f32 v4;
	v4 =	vadd.f32 v5, v2  }
0x49: {  	v3 =	vld [tilespmem:s29+$0xA0]  }
0x4a: {  	v5 =	vmul.f32 $2.000000030e-01, v4;
	_ =	sdelay $0x1  }
0x4b: {  	v4 =	vmax.f32 v4, v5  }
0x4c: {  	s30 =	simm.s32 $0x30;
	v5 =	vmul.f32 $1.442695020e+00, v4  }
0x4d: {  	v6 =	vadd.f32 v6, v3;
	v4 =	vld [tilespmem:s30+$0xA0]  }
0x4e: {  	(erf) = vpow2.f32 v5;
	v5 =	vld [tilespmem:s30+$0x5A0]  }
0x4f: {  	v7 =	vmul.f32 $2.000000030e-01, v6;
	_ =	sdelay $0x1  }
0x50: {  	s31 =	simm.s32 $0x100;
	v7 =	vmax.f32 v6, v7;
	v6 =	vpop (erf)  }
.LBB2_5:
0x51: {  	s0 =	sshra.s32 s31, $0x2;
	v7 =	vmul.f32 $1.442695020e+00, v7;
	v6 =	vbroadcast v6, $0x3;
	v8 =	vmov v4;
	p0 =	sne.s32 s31, $0x13C0  }
.Ltmp1:
0x52: {  	s31 =	sadd.s32 $0x40, s31;
	v4 =	vld [tilespmem:s0+$0xA0];
	v9 =	vadd.f32 v5, v8;
	(pc) =	sbr.rel @p0 .LBB2_5-.Ltmp1, $4  }
0x53: {  	v5 =	vld [tilespmem:s0+$0x5A0];
	(erf) = vpow2.f32 v7;
	v10 =	vmul.f32 v6, v1;
	v1 =	vmovc v2;
	v2 =	vmovc v3;
	v3 =	vmov v8  }
0x54: {  	v7 =	vmul.f32 $2.000000030e-01, v9  }
0x55: {  	[tilespmem:s26+$0xAA0] =	vst v10;
	s26 =	smov.u32 s28;
	s28 =	smov.u32 s29;
	s29 =	smov.u32 s30  }
0x56: {  	s30 =	smov.u32 s0;
	v7 =	vmax.f32 v9, v7;
	v6 =	vpop (erf)  }
0x57: {  	_ = 	snop  }
0x58: {  	v5 =	vadd.f32 v5, v4;
	_ =	sdelay $0x1  }
0x59: {  	v8 =	vmul.f32 $2.000000030e-01, v5;
	_ =	sdelay $0x1  }
0x5a: {  	v7 =	vmul.f32 $1.442695020e+00, v7;
	v5 =	vmax.f32 v5, v8  }
0x5b: {  	v5 =	vmul.f32 $1.442695020e+00, v5  }
0x5c: {  	(erf) = vpow2.f32 v7  }
0x5d: {  	(erf) = vpow2.f32 v5;
	_ =	sdelay $0x6  }
0x5e: {  	v6 =	vbroadcast v6, $0x3;
	v60 =	vpop (erf)  }
0x5f: {  	v5 =	vbroadcast v60, $0x3;
	v7 =	vpop (erf)  }
0x60: {  	v1 =	vmul.f32 v6, v1;
	v61 =	vbroadcast v7, $0x3;
	v62 =	vpop (erf)  }
0x61: {  	v2 =	vmul.f32 v5, v2;
	v63 =	vbroadcast v62, $0x3  }
0x62: {  	[tilespmem:s26+$0xAA0] =	vst v1;
	v1 =	vmul.f32 v61, v3  }
0x63: {  	s25 =	sadd.s32 $0x1, s25;
	[tilespmem:s28+$0xAA0] =	vst v2;
	v2 =	vmul.f32 v63, v4  }
0x64: {  	p0 =	sne.s32 s25, $0x7D;
	[tilespmem:s29+$0xAA0] =	vst v1  }
.Ltmp2:
0x65: {  	[tilespmem:s30+$0xAA0] =	vst v2;
	(pc) =	sbr.rel @p0 .LBB2_4-.Ltmp2, $4  }
0x66: {  	[spmem:s2] =	stream.indirect.scatter.add.f32 [tilespmem:s23], [sflag:$0x3], $0x10, s18, s18, $0xb8;
	[tilespmem:$0x3FA0] =	vst v63  }
0x67: {  	_ =	swait.ge [sflag:s17], $0x500  }
0x68: {  	[sflag:s17] =	ssyncset.done $0x0  }
0x69: {  	[sflag:s17] =	ssyncadd.s32 $0xFFFFFB00  }
0x6a: {  	s3 =	sadd.s32 $0x1, s3  }
0x6b: {  	s0 =	sshll.u32 s1, $0x6;
	[bflag:$0x0] =	sbarrier.arrive $0xFFFF;
	p0 =	sne.s32 s3, s15  }
.Ltmp3:
0x6c: {  	s24 =	sshrl.u32 s8, $0x3;
	s0 =	sor.u32 $0x1C03, s0;
	(pc) =	sbr.rel @p0 .LBB2_1-.Ltmp3, $4  }
0x6d: {  	[hbm:s14], [sflag:s0] =	dma.local [spmem:s24], $0x500  }
0x6e: {  	_ =	swait.ge [sflag:s17], $0x500  }
0x6f: {  	[sflag:s17] =	ssyncset.done $0x0  }
0x70: {  	[sflag:s17] =	ssyncadd.s32 $0xFFFFFB00  }
0x71: {  	_ =	sfence.sel $0x180000  }
0x72: {  	[bflag:$0x0] =	sbarrier.arrive $0xFFFF  }
0x73: {  	_ =	strace $0x9000004A  }
0x74: {  	[bflag:$0x2] =	sbarrier.arrive $0xFFFF  }
0x75: {  	p0 =	sne.s32 s1, $0x0;
	s0 =	rddreg [dreg:$0x2]  }
0x76: {  	s0 =	sadd.s32 @!p0 $0x100000, s0  }
0x77: {  	[sflag:s0] =	ssyncadd.tile.s32 @!p0 $0x1;
	_ =	shalt  }
.Lfunc_end2:
_tile_overlayer_lowered:
.L_overlay_start_2:
0x78: {  	(tag) =	ssettag $0x2  }
0x79: {  	s0 =	rddreg [dreg:$0x0];
	s2 =	stileid.u32  }
0x7a: {  	s1 =	rddreg [dreg:$0x1];
	p0 =	sne.s32 s2, $0x0  }
0x7b: {  	s3 =	rddreg [dreg:$0x2];
	[bflag:$0x3] =	sbarrier.arrive $0xFFFF;
	s2 =	simm.s32 @!p0 $0x1C03  }
0x7c: {  	[timem:s3], [sflag:s2] =	dma.local @!p0 [hbm:s0], s1  }
0x7d: {  	s0 =	simm.s32 @!p0 $0x3  }
0x7e: {  	_ =	swait.ge @!p0 [sflag:s0], s1  }
0x7f: {  	s1 =	ssub.s32 @!p0 $0x0, s1;
	[sflag:s0] =	ssyncset.done @!p0 $0x0  }
0x80: {  	[sflag:s0] =	ssyncadd.s32 @!p0 s1  }
0x81: {  	[bflag:$0x3] =	sbarrier.arrive $0xFFFF  }
0x82: {  	_ =	shalt  }

// kernel: kernel.7.cloned.1.call-start
scs
__scs_entry_jumppad:
0x0: {  	(pc) =	sbr.rel $0x88, $3  }
0x1: {  	(tag) =	ssettag $0x0;
	lr =	simm.s32 $0x1  }
0x2: {  	[smem:$0x3F97] =	sst lr;
	_ =	strace $0xD0000000  }
0x3: {  	_ = 	snop  }
0x4: {  	_ = 	snop  }
0x5: {  	_ = 	snop  }
0x6: {  	_ = 	snop  }
0x7: {  	_ = 	snop  }
__scs_overlays_trampoline_lowered:
0x8: {  	[smem:$0x3FA6] =	sst s0  }
0x9: {  	[smem:$0x3FA7] =	sst s1  }
0xa: {  	[smem:$0x3FA8] =	sst s2  }
0xb: {  	[smem:$0x3FA9] =	sst s3  }
0xc: {  	[smem:$0x3FAA] =	sst s4  }
0xd: {  	[smem:$0x3FAB] =	sst s5  }
0xe: {  	[smem:$0x3FAC] =	sst s6  }
0xf: {  	[smem:$0x3FAD] =	sst s7  }
0x10: {  	[smem:$0x3FAE] =	sst s8  }
0x11: {  	[smem:$0x3FAF] =	sst s9;
	s0 =	simm.s32 @!p0 $0x0  }
0x12: {  	s1 =	sld [smem:$0x3F95];
	s0 =	simm.s32 @p0 $0x1  }
0x13: {  	[smem:$0x3FB0] =	sst s0;
	s0 =	simm.s32 @!p1 $0x0  }
0x14: {  	s2 =	sld [smem:$0x3F94];
	s0 =	simm.s32 @p1 $0x1  }
0x15: {  	[smem:$0x3FB1] =	sst s0;
	s0 =	simm.s32 @!p2 $0x0  }
0x16: {  	s3 =	sld [smem:$0x3FDB];
	s0 =	simm.s32 @p2 $0x1  }
0x17: {  	s4 =	simm.s32 $0x1BF5;
	[smem:$0x3FB3] =	sst s0  }
0x18: {  	s0 =	sld [smem:$0x3F96];
	_ =	swait.ge [sflag:s4], $0x0  }
0x19: {  	s7 =	sld [smem:$0x3F97]  }
0x1a: {  	s8 =	sadd.s32 $0xFFFFE003, lr  }
0x1b: {  	s9 =	sadd.s32 $0xFFFFFEF7, lr;
	s5 =	simm.s32 $0xFFFFFFFF;
	p2 =	slt.u32 s8, $0xFFFFF086  }
0x1c: {  	p1 =	slt.u32 s9, $0xF7A;
	s5 =	simm.s32 @!p2 $0x0  }
0x1d: {  	s5 =	simm.s32 @p1 $0x1;
	p0 =	seq.s32 s7, s2  }
0x1e: {  	s7 =	smul.u32 @!p0 $0xF7A, s2;
	p2 =	seq.s32 @!p0 s5, $0x0  }
0x1f: {  	s9 =	smul.u32 $0xF7A, s1;
	s8 =	simm.s32 @!p0 $0x1BF5;
	p2 =	por !p2, p0  }
0x20: {  	[sflag:s8] =	ssyncset.s32 @!p0 $0xFFFFF086;
	s6 =	sadd.s32 @!p0 s3, s7;
	s7 =	simm.s32 @!p0 $0x108  }
0x21: {  	s3 =	sadd.s32 s3, s9;
	s6 =	sadd.s32 @!p0 $0x88, s6;
	s7 =	simm.s32 @p2 $0x1082  }
0x22: {  	[simem:s7], [sflag:s8] =	dma.local @!p0 [hbm:s6], $0xF7A  }
0x23: {  	s9 =	sor.u32 $0xD0000000, s2;
	s6 =	simm.s32 $0x108;
	_ =	swait.ge @!p0 [sflag:s8], $0x0  }
0x24: {  	s3 =	sadd.s32 $0x88, s3;
	s6 =	simm.s32 @!p1 $0x1082;
	[sflag:s4] =	ssyncset.s32 $0xFFFFF086  }
0x25: {  	[simem:s6], [sflag:s4] =	dma.local [hbm:s3], $0xF7A  }
0x26: {  	[smem:$0x3F97] =	sst s1;
	(tag) =	ssettag s2;
	_ =	strace s9  }
0x27: {  	s1 =	sld [smem:$0x3FA7]  }
0x28: {  	s2 =	sld [smem:$0x3FA8]  }
0x29: {  	s4 =	sld [smem:$0x3FAA]  }
0x2a: {  	p0 =	seq.s32 s5, $0x0;
	s5 =	sld [smem:$0x3FAB]  }
0x2b: {  	s6 =	sld [smem:$0x3FAC]  }
0x2c: {  	s7 =	sld [smem:$0x3FAD]  }
0x2d: {  	s3 =	simm.s32 $0x108;
	s8 =	sld [smem:$0x3FAE]  }
0x2e: {  	s3 =	simm.s32 @!p0 $0x1082;
	s9 =	sld [smem:$0x3FAF]  }
0x2f: {  	lr =	sadd.s32 s0, s3;
	s0 =	sld [smem:$0x3FA6]  }
0x30: {  	s3 =	sld [smem:$0x3FA9]  }
0x31: {  	[smem:$0x3FB2] =	sst s10  }
0x32: {  	s10 =	sld [smem:$0x3FB0];
	_ =	sdelay $0x3  }
0x33: {  	p0 =	seq.s32 s10, $0x1;
	s10 =	sld [smem:$0x3FB2];
	_ =	sdelay $0x3  }
0x34: {  	[smem:$0x3FB2] =	sst s10  }
0x35: {  	s10 =	sld [smem:$0x3FB1];
	_ =	sdelay $0x3  }
0x36: {  	p1 =	seq.s32 s10, $0x1;
	s10 =	sld [smem:$0x3FB2];
	_ =	sdelay $0x3  }
0x37: {  	[smem:$0x3FB2] =	sst s10  }
0x38: {  	s10 =	sld [smem:$0x3FB3]  }
0x39: {  	_ = 	snop;
	(pc) =	sbr.ind lr, $3  }
0x3a: {  	_ = 	snop  }
0x3b: {  	_ = 	snop  }
0x3c: {  	p2 =	seq.s32 s10, $0x1;
	s10 =	sld [smem:$0x3FB2]  }
0x3d: {  	_ =	shalt  }
0x3e: {  	_ =	shalt  }
0x3f: {  	_ =	shalt  }
0x40: {  	_ =	shalt  }
0x41: {  	_ =	shalt  }
0x42: {  	_ =	shalt  }
0x43: {  	_ =	shalt  }
0x44: {  	_ =	shalt  }
0x45: {  	_ =	shalt  }
0x46: {  	_ =	shalt  }
0x47: {  	_ =	shalt  }
0x48: {  	_ =	shalt  }
0x49: {  	_ =	shalt  }
0x4a: {  	_ =	shalt  }
0x4b: {  	_ =	shalt  }
0x4c: {  	_ =	shalt  }
0x4d: {  	_ =	shalt  }
0x4e: {  	_ =	shalt  }
0x4f: {  	_ =	shalt  }
0x50: {  	_ =	shalt  }
0x51: {  	_ =	shalt  }
0x52: {  	_ =	shalt  }
0x53: {  	_ =	shalt  }
0x54: {  	_ =	shalt  }
0x55: {  	_ =	shalt  }
0x56: {  	_ =	shalt  }
0x57: {  	_ =	shalt  }
0x58: {  	_ =	shalt  }
0x59: {  	_ =	shalt  }
0x5a: {  	_ =	shalt  }
0x5b: {  	_ =	shalt  }
0x5c: {  	_ =	shalt  }
0x5d: {  	_ =	shalt  }
0x5e: {  	_ =	shalt  }
0x5f: {  	_ =	shalt  }
0x60: {  	_ =	shalt  }
0x61: {  	_ =	shalt  }
0x62: {  	_ =	shalt  }
0x63: {  	_ =	shalt  }
0x64: {  	_ =	shalt  }
0x65: {  	_ =	shalt  }
0x66: {  	_ =	shalt  }
0x67: {  	_ =	shalt  }
0x68: {  	_ =	shalt  }
0x69: {  	_ =	shalt  }
0x6a: {  	_ =	shalt  }
0x6b: {  	_ =	shalt  }
0x6c: {  	_ =	shalt  }
0x6d: {  	_ =	shalt  }
0x6e: {  	_ =	shalt  }
0x6f: {  	_ =	shalt  }
0x70: {  	_ =	shalt  }
0x71: {  	_ =	shalt  }
0x72: {  	_ =	shalt  }
0x73: {  	_ =	shalt  }
0x74: {  	_ =	shalt  }
0x75: {  	_ =	shalt  }
0x76: {  	_ =	shalt  }
0x77: {  	_ =	shalt  }
0x78: {  	_ =	shalt  }
0x79: {  	_ =	shalt  }
0x7a: {  	_ =	shalt  }
0x7b: {  	_ =	shalt  }
0x7c: {  	_ =	shalt  }
0x7d: {  	_ =	shalt  }
0x7e: {  	_ =	shalt  }
0x7f: {  	_ =	shalt  }
0x80: {  	_ =	shalt  }
0x81: {  	_ =	shalt  }
0x82: {  	_ =	shalt  }
0x83: {  	_ =	shalt  }
0x84: {  	_ =	shalt  }
0x85: {  	_ =	shalt  }
0x86: {  	_ =	shalt  }
0x87: {  	_ =	shalt  }
.Lfunc_end0:
.L_simem_size_0:
called_computation_lowered:
.L_overlay_start_0:
0x88: {  	s2 =	sld [smem:$0x3FD9]  }
0x89: {  	s3 =	sld [smem:$0x3FFE];
	_ =	sdelay $0x1  }
0x8a: {  	s1 =	srdreg.scid  }
0x8b: {  	s0 =	sand.u32 $0x1, s1  }
0x8c: {  	s16 =	sshll.u32 s0, $0xA;
	s2 =	sadd.s32 s3, s2  }
0x8d: {  	s2 =	sadd.s32 s2, s16  }
0x8e: {  	[smem:$0x3FBE] =	sst s2  }
0x8f: {  	_ = 	snop  }
0x90: {  	(tm) =	ssettm $0x1  }
0x91: {  	s17 =	sld [smem:$0x3FFB];
	_ =	sdelay $0x3  }
0x92: {  	_ =	strace s17  }
0x93: {  	s2 =	sld [smem:$0x3FFC];
	_ =	sdelay $0x3  }
0x94: {  	_ =	strace s2  }
0x95: {  	s2 =	sld [smem:$0x3FFD];
	_ =	sdelay $0x3  }
0x96: {  	_ =	strace s2  }
0x97: {  	_ =	strace $0x8FFFFFFF  }
0x98: {  	s18 =	sld [smem:$0x3FDB];
	_ =	sdelay $0x1  }
0x99: {  	s19 =	simm.s32 $_scs_section_size  }
0x9a: {  	s4 =	simm.s32 $_size__tile_overlayer_lowered;
	s5 =	simm.s32 $_tile_overlayer_lowered  }
0x9b: {  	s22 =	simm.s32 $0x1BFF;
	s21 =	sshll.u32 s5, $0x1;
	s2 =	sadd.s32 s19, s18  }
0x9c: {  	s6 =	simm.s32 $0x0;
	s20 =	sshll.u32 s4, $0x1;
	s4 =	sadd.s32 s21, s2  }
0x9d: {  	[timem:s6], [sflag:s22] =	dma.local [hbm:s4], s20  }
0x9e: {  	_ =	swait.ge [sflag:s22], s20  }
0x9f: {  	s3 =	ssub.s32 $0x0, s20;
	[sflag:s22] =	ssyncset.done $0x0  }
0xa0: {  	[sflag:s22] =	ssyncadd.s32 s3;
	_ =	sdelay $0x1  }
0xa1: {  	s23 =	simm.s32 $0x1B8B  }
0xa2: {  	_ =	swait.ge [sflag:s23], $0x1  }
0xa3: {  	[sflag:s23] =	ssyncset.done $0x0  }
0xa4: {  	s25 =	simm.s32 $0x1B8E;
	s24 =	sld [smem:$0x3FFE];
	[sflag:s23] =	ssyncadd.s32 $0xFFFFFFFF  }
0xa5: {  	s26 =	simm.s32 $execute0_lowered;
	[smem:$0x3FD2] =	sst s25  }
0xa6: {  	s4 =	sshll.u32 s26, $0x1;
	_ =	strace $0x80000046;
	[dreg:$0x1] =	wrdreg $0xFFFFFFFF  }
0xa7: {  	s28 =	simm.s32 $_size_execute0_lowered;
	s2 =	sadd.s32 s2, s4;
	[dreg:$0x0] =	wrdreg $0x0  }
0xa8: {  	s4 =	sshll.u32 s28, $0x1;
	[dreg:$0x2] =	wrdreg s2  }
0xa9: {  	[dreg:$0x3] =	wrdreg s4  }
0xaa: {  	[dreg:$0x4] =	wrdreg $0xC0  }
0xab: {  	_ =	task [dreg:s6], $0x5FFFF  }
0xac: {  	[dreg:$0x1] =	wrdreg $0xFFFFFFFF  }
0xad: {  	[dreg:$0x0] =	wrdreg $0x60  }
0xae: {  	[dreg:$0x2] =	wrdreg s24  }
0xaf: {  	[dreg:$0x3] =	wrdreg $0x5FA00  }
0xb0: {  	[dreg:$0x4] =	wrdreg $0x9  }
0xb1: {  	_ =	task.clear_ibuf [dreg:s6], $0x5FFFF;
	_ =	strace $0x90000046  }
0xb2: {  	s29 =	simm.s32 $0x9;
	_ =	strace $0x80000048  }
0xb3: {  	_ =	swait.ge [sflag:s29], $0x1  }
0xb4: {  	[sflag:s29] =	ssyncadd.s32 $0xFFFFFFFF  }
0xb5: {  	_ =	strace $0x90000048  }
0xb6: {  	_ =	sfence  }
0xb7: {  	s30 =	sld [smem:$0x0];
	_ =	sdelay $0x2  }
0xb8: {  	s31 =	sshll.u32 s1, $0xD;
	s1 =	sshrl.u32 s1, $0x2  }
0xb9: {  	s3 =	sand.u32 $0x4000, s31;
	s1 =	sadd.s32 s1, s30  }
0xba: {  	s0 =	sor.u32 s3, s0;
	s1 =	sshll.u32 s1, $0x11  }
0xbb: {  	s0 =	sor.u32 s1, s0  }
0xbc: {  	s0 =	sadd.s32 $0x8F2B, s0  }
0xbd: {  	[sflag:s0] =	ssyncadd.remote.s32 $0x1  }
0xbe: {  	_ =	sfence.sel $0xFFFF  }
0xbf: {  	[dreg:$0x0] =	wrdreg $0xFFFFFFFF;
	(pc) =	sbr.abs _section_cstart, $3  }
0xc0: {  	[dreg:$0x1] =	wrdreg $0xFFFFFFFF  }
0xc1: {  	_ =	task.clear_ibuf [dreg:s6], $0x2FFFF;
	_ =	strace $0x9FFFFFFF  }
0xc2: {  	(tm) =	ssettm $0x7FFFFFFF  }
0xc3: {  	_ =	shalt  }
tec
execute0_lowered:
.L_overlay_start_1:
0x0: {  	(tag) =	ssettag $0x1  }
0x1: {  	s0 =	rddreg [dreg:$0x0]  }
0x2: {  	s2 =	rddreg [dreg:$0x1];
	s4 =	srdreg.scid  }
0x3: {  	s1 =	stileid.u32;
	s3 =	simm.s32 $0x0;
	s18 =	simm.s32 $0x37A0  }
0x4: {  	s19 =	simm.s32 $0x3;
	s20 =	simm.s32 $0x50;
	s21 =	simm.s32 $0xA0  }
0x5: {  	s22 =	simm.s32 $0x1;
	s23 =	simm.s32 $0x2;
	s24 =	simm.s32 $0x1EA0  }
0x6: {  	s9 =	sand.u32 $0x1, s4;
	s10 =	smul.u32 $0xC800, s1;
	[smem:$0x7FF] =	sst s3  }
0x7: {  	s4 =	sadd.s32 $0x2600, s0;
	s5 =	sadd.s32 $0x1AE00, s0;
	s13 =	smul.u32 $0x32000, s1  }
0x8: {  	s6 =	sadd.s32 $0x33600, s0;
	s7 =	sadd.s32 $0x42400, s0;
	s8 =	smul.u32 $0xC8000, s9  }
0x9: {  	_ =	strace $0x80000047;
	s12 =	ssub.s32 $0x2, s9;
	s9 =	sshll.u32 s9, $0x4  }
0xa: {  	s30 =	sshrl.u32 s12, $0x1;
	s31 =	sshrl.u32 s13, $0x2;
	s14 =	sor.u32 s1, s9  }
0xb: {  	s9 =	sadd.s32 s10, s2;
	s8 =	sadd.s32 s10, s8;
	s17 =	ssub.s32 s12, s30  }
0xc: {  	s13 =	sadd.s32 s31, s2;
	s14 =	smul.u32 $0x2710, s14;
	s11 =	sshrl.u32 s8, $0x3  }
0xd: {  	s8 =	sadd.s32 $0x38600, s0;
	s10 =	sadd.s32 $0x2800, s13;
	s12 =	sadd.s32 $0x7800, s13  }
0xe: {  	s17 =	smax.u32 s17, $0x1;
	s0 =	sadd.s32 s11, s0;
	s11 =	sadd.s32 $0x5000, s13  }
0xf: {  	v0 =	vimm.f32 $0.0e+00;
	s13 =	sadd.s32 $0xA000, s13;
	s15 =	sadd.s32 $0x4C200, s0;
	s16 =	sadd.s32 $0x7E200, s0  }
.LBB2_1:
0x10: {  	s25 =	simm.s32 $0x140;
	s0 =	simm.s32 $0x0  }
.LBB2_2:
0x11: {  	p0 =	sne.s32 s25, $0x9EC0;
	[tilespmem:s0+$0x37E0] =	vst v0;
	s26 =	smov.u32 s25;
	s25 =	sadd.s32 $0x140, s25  }
.Ltmp0:
0x12: {  	[tilespmem:s0+$0x37D0] =	vst v0;
	(pc) =	sbr.rel @p0 .LBB2_2-.Ltmp0, $4  }
0x13: {  	[tilespmem:s0+$0x37C0] =	vst v0  }
0x14: {  	[tilespmem:s0+$0x37A0] =	vst v0  }
0x15: {  	[tilespmem:s0+$0x37B0] =	vst v0  }
0x16: {  	s0 =	sshra.s32 s26, $0x2  }
0x17: {  	[tilespmem:s0+$0x37E0] =	vst v0  }
0x18: {  	[tilespmem:s0+$0x37D0] =	vst v0  }
0x19: {  	[tilespmem:s0+$0x37C0] =	vst v0  }
0x1a: {  	[tilespmem:s0+$0x37A0] =	vst v0  }
0x1b: {  	[tilespmem:s0+$0x37B0] =	vst v0  }
0x1c: {  	[spmem:s9] =	stream.linear.scatter [tilespmem:s18], [sflag:$0x3], $0x2800, $0x38;
	[tilespmem:$0x127A0] =	vst v63  }
0x1d: {  	_ =	swait.ge [sflag:s19], $0x2800  }
0x1e: {  	[sflag:s19] =	ssyncset.done $0x0  }
0x1f: {  	[sflag:s19] =	ssyncadd.s32 $0xFFFFD800  }
0x20: {  	[spmem:s10] =	stream.linear.scatter [tilespmem:s18], [sflag:$0x3], $0x2800, $0x38;
	[tilespmem:$0x127A0] =	vst v63  }
0x21: {  	_ =	swait.ge [sflag:s19], $0x2800  }
0x22: {  	[sflag:s19] =	ssyncset.done $0x0  }
0x23: {  	[sflag:s19] =	ssyncadd.s32 $0xFFFFD800  }
0x24: {  	[spmem:s11] =	stream.linear.scatter [tilespmem:s18], [sflag:$0x3], $0x2800, $0x38;
	[tilespmem:$0x127A0] =	vst v63  }
0x25: {  	_ =	swait.ge [sflag:s19], $0x2800  }
0x26: {  	[sflag:s19] =	ssyncset.done $0x0  }
0x27: {  	[sflag:s19] =	ssyncadd.s32 $0xFFFFD800  }
0x28: {  	[spmem:s12] =	stream.linear.scatter [tilespmem:s18], [sflag:$0x3], $0x2800, $0x38;
	[tilespmem:$0x127A0] =	vst v63  }
0x29: {  	_ =	swait.ge [sflag:s19], $0x2800  }
0x2a: {  	[sflag:s19] =	ssyncset.done $0x0  }
0x2b: {  	[sflag:s19] =	ssyncadd.s32 $0xFFFFD800  }
0x2c: {  	[spmem:s13] =	stream.linear.scatter [tilespmem:s18], [sflag:$0x3], $0x2800, $0x38;
	[tilespmem:$0x127A0] =	vst v63  }
0x2d: {  	_ =	swait.ge [sflag:s19], $0x2800  }
0x2e: {  	[sflag:s19] =	ssyncset.done $0x0  }
0x2f: {  	[sflag:s19] =	ssyncadd.s32 $0xFFFFD800  }
0x30: {  	s25 =	simm.s32 $0x0;
	s26 =	simm.s32 $0x0;
	[bflag:$0x0] =	sbarrier.arrive $0xFFFF  }
.LBB2_4:
0x31: {  	s0 =	smul.u32 $0x50, s26;
	_ =	sdelay $0x1  }
0x32: {  	s0 =	sadd.s32 s14, s0  }
0x33: {  	s0 =	sshrl.u32 s0, $0x3  }
0x34: {  	s28 =	sadd.s32 s7, s0  }
0x35: {  	[tilespmem:s25], [sflag:$0x3] =	stream.linear.gather [hbm4b:s28+s25], $0x50, $0x38;
	[tilespmem:$0x127A0] =	vst v63  }
0x36: {  	_ =	swait.ge [sflag:s19], $0x50  }
0x37: {  	[sflag:s19] =	ssyncset.done $0x0  }
0x38: {  	s0 =	sadd.s32 s8, s0;
	[sflag:s19] =	ssyncadd.s32 $0xFFFFFFB0  }
0x39: {  	[tilespmem:s20], [sflag:$0x3] =	stream.linear.gather [hbm4b:s0+s25], $0x50, $0x38;
	[tilespmem:$0x127A0] =	vst v63  }
0x3a: {  	_ =	swait.ge [sflag:s19], $0x50  }
0x3b: {  	[sflag:s19] =	ssyncset.done $0x0  }
0x3c: {  	[sflag:s19] =	ssyncadd.s32 $0xFFFFFFB0  }
0x3d: {  	[tilespmem:s21], [sflag:$0x1] =	stream.indirect.gather [hbm4b:s4+s20], $0x50, s25, s20, $0xb8;
	[tilespmem:$0x127A0] =	vst v63  }
0x3e: {  	s29 =	simm.s32 $0x19A0  }
0x3f: {  	[tilespmem:s29], [sflag:$0x2] =	stream.indirect.gather [hbm4b:s6+s20], $0x10, s20, s20, $0xb8;
	[tilespmem:$0x127A0] =	vst v63  }
0x40: {  	_ =	swait.ge [sflag:s22], $0x1900  }
0x41: {  	[sflag:s22] =	ssyncset.done $0x0  }
0x42: {  	[sflag:s22] =	ssyncadd.s32 $0xFFFFE700  }
0x43: {  	_ =	swait.ge [sflag:s23], $0x500  }
0x44: {  	[sflag:s23] =	ssyncset.done $0x0  }
0x45: {  	s28 =	simm.s32 $0x0;
	[sflag:s23] =	ssyncadd.s32 $0xFFFFFB00  }
0x46: {  	s30 =	simm.s32 $0x140;
	v1 =	vld [tilespmem:s28+$0xE0]  }
.LBB2_5:
0x47: {  	p0 =	sne.s32 s30, $0x62C0;
	v2 =	vld [tilespmem:s29+$0x0];
	_ =	sdelay $0x4  }
0x48: {  	v1 =	vadd.f32 v2, v1;
	_ =	sdelay $0x1  }
0x49: {  	v2 =	vmul.f32 $2.000000030e-01, v1;
	_ =	sdelay $0x1  }
0x4a: {  	v1 =	vmax.f32 v1, v2  }
0x4b: {  	v1 =	vmul.f32 $1.442695020e+00, v1;
	_ =	sdelay $0x1  }
0x4c: {  	(erf) = vpow2.f32 v1;
	_ =	sdelay $0x4  }
0x4d: {  	v1 =	vld [tilespmem:s28+$0xA0]  }
0x4e: {  	v2 =	vld [tilespmem:s28+$0xB0]  }
0x4f: {  	v3 =	vld [tilespmem:s28+$0xC0]  }
0x50: {  	v4 =	vld [tilespmem:s28+$0xD0]  }
0x51: {  	v5 =	vpop (erf)  }
0x52: {  	[tilespmem:s28+$0x1EE0] =	vst v5;
	v6 =	vbroadcast v5, $0x0;
	v7 =	vbroadcast v5, $0x1  }
0x53: {  	v8 =	vbroadcast v5, $0x2;
	v5 =	vbroadcast v5, $0x3  }
0x54: {  	v1 =	vmul.f32 v6, v1;
	v2 =	vmul.f32 v7, v2  }
.Ltmp1:
0x55: {  	v3 =	vmul.f32 v8, v3;
	v4 =	vmul.f32 v4, v5;
	(pc) =	sbr.rel @p0 .LBB2_5-.Ltmp1, $4  }
0x56: {  	[tilespmem:s28+$0x1EA0] =	vst v1  }
0x57: {  	[tilespmem:s28+$0x1EB0] =	vst v2  }
0x58: {  	s0 =	sshra.s32 s30, $0x2;
	[tilespmem:s28+$0x1EC0] =	vst v3  }
0x59: {  	s30 =	sadd.s32 $0x140, s30;
	s29 =	sadd.s32 $0x10, s29;
	v1 =	vld [tilespmem:s0+$0xE0];
	[tilespmem:s28+$0x1ED0] =	vst v4;
	s28 =	smov.u32 s0  }
0x5a: {  	v2 =	vld [tilespmem:s29+$0x0];
	_ =	sdelay $0x4  }
0x5b: {  	v1 =	vadd.f32 v2, v1;
	_ =	sdelay $0x1  }
0x5c: {  	v2 =	vmul.f32 $2.000000030e-01, v1;
	_ =	sdelay $0x1  }
0x5d: {  	v1 =	vmax.f32 v1, v2  }
0x5e: {  	v1 =	vmul.f32 $1.442695020e+00, v1;
	_ =	sdelay $0x1  }
0x5f: {  	(erf) = vpow2.f32 v1;
	_ =	sdelay $0x6  }
0x60: {  	v1 =	vld [tilespmem:s28+$0xA0]  }
0x61: {  	v2 =	vld [tilespmem:s28+$0xB0]  }
0x62: {  	v3 =	vld [tilespmem:s28+$0xC0];
	v4 =	vpop (erf)  }
0x63: {  	v5 =	vld [tilespmem:s28+$0xD0];
	v6 =	vbroadcast v4, $0x0  }
0x64: {  	v7 =	vbroadcast v4, $0x1  }
0x65: {  	v8 =	vbroadcast v4, $0x2;
	v1 =	vmul.f32 v6, v1  }
0x66: {  	[tilespmem:s28+$0x1EE0] =	vst v4;
	v4 =	vbroadcast v4, $0x3;
	v2 =	vmul.f32 v7, v2  }
0x67: {  	v3 =	vmul.f32 v8, v3;
	[tilespmem:s28+$0x1EA0] =	vst v1  }
0x68: {  	s26 =	sadd.s32 $0x1, s26;
	v1 =	vmul.f32 v5, v4;
	[tilespmem:s28+$0x1EB0] =	vst v2  }
0x69: {  	p0 =	sne.s32 s26, $0x7D;
	[tilespmem:s28+$0x1EC0] =	vst v3  }
.Ltmp2:
0x6a: {  	[tilespmem:s28+$0x1ED0] =	vst v1;
	(pc) =	sbr.rel @p0 .LBB2_4-.Ltmp2, $4  }
0x6b: {  	[spmem:s2] =	stream.indirect.scatter.add.f32 [tilespmem:s24], [sflag:$0x3], $0x50, s20, s20, $0xb8;
	[tilespmem:$0x127A0] =	vst v63  }
0x6c: {  	_ =	swait.ge [sflag:s19], $0x1900  }
0x6d: {  	[sflag:s19] =	ssyncset.done $0x0  }
0x6e: {  	[sflag:s19] =	ssyncadd.s32 $0xFFFFE700  }
0x6f: {  	s0 =	stileid.u32  }
0x70: {  	s0 =	sshll.u32 s0, $0x6  }
0x71: {  	[bflag:$0x0] =	sbarrier.arrive $0xFFFF;
	s26 =	sshrl.u32 s9, $0x3;
	s25 =	sor.u32 $0x1C03, s0  }
0x72: {  	[hbm:s15], [sflag:s25] =	dma.local [spmem:s26], $0x1900  }
0x73: {  	_ =	swait.ge [sflag:s19], $0x1900  }
0x74: {  	[sflag:s19] =	ssyncset.done $0x0  }
0x75: {  	[sflag:s19] =	ssyncadd.s32 $0xFFFFE700  }
0x76: {  	[spmem:s9] =	stream.linear.scatter [tilespmem:s18], [sflag:$0x3], $0x2800, $0x38;
	[tilespmem:$0x127A0] =	vst v63  }
0x77: {  	_ =	swait.ge [sflag:s19], $0x2800  }
0x78: {  	[sflag:s19] =	ssyncset.done $0x0  }
0x79: {  	[sflag:s19] =	ssyncadd.s32 $0xFFFFD800  }
0x7a: {  	[spmem:s10] =	stream.linear.scatter [tilespmem:s18], [sflag:$0x3], $0x2800, $0x38;
	[tilespmem:$0x127A0] =	vst v63  }
0x7b: {  	_ =	swait.ge [sflag:s19], $0x2800  }
0x7c: {  	[sflag:s19] =	ssyncset.done $0x0  }
0x7d: {  	[sflag:s19] =	ssyncadd.s32 $0xFFFFD800  }
0x7e: {  	[spmem:s11] =	stream.linear.scatter [tilespmem:s18], [sflag:$0x3], $0x2800, $0x38;
	[tilespmem:$0x127A0] =	vst v63  }
0x7f: {  	_ =	swait.ge [sflag:s19], $0x2800  }
0x80: {  	[sflag:s19] =	ssyncset.done $0x0  }
0x81: {  	[sflag:s19] =	ssyncadd.s32 $0xFFFFD800  }
0x82: {  	[spmem:s12] =	stream.linear.scatter [tilespmem:s18], [sflag:$0x3], $0x2800, $0x38;
	[tilespmem:$0x127A0] =	vst v63  }
0x83: {  	_ =	swait.ge [sflag:s19], $0x2800  }
0x84: {  	[sflag:s19] =	ssyncset.done $0x0  }
0x85: {  	[sflag:s19] =	ssyncadd.s32 $0xFFFFD800  }
0x86: {  	[spmem:s13] =	stream.linear.scatter [tilespmem:s18], [sflag:$0x3], $0x2800, $0x38;
	[tilespmem:$0x127A0] =	vst v63  }
0x87: {  	_ =	swait.ge [sflag:s19], $0x2800  }
0x88: {  	[sflag:s19] =	ssyncset.done $0x0  }
0x89: {  	[sflag:s19] =	ssyncadd.s32 $0xFFFFD800  }
0x8a: {  	s28 =	simm.s32 $0x0;
	s29 =	simm.s32 $0x0;
	[bflag:$0x0] =	sbarrier.arrive $0xFFFF  }
.LBB2_8:
0x8b: {  	s0 =	smul.u32 $0x50, s29;
	_ =	sdelay $0x1  }
0x8c: {  	s0 =	sadd.s32 s14, s0  }
0x8d: {  	s0 =	sshrl.u32 s0, $0x3  }
0x8e: {  	s30 =	sadd.s32 s7, s0  }
0x8f: {  	[tilespmem:s28], [sflag:$0x3] =	stream.linear.gather [hbm4b:s30+s28], $0x50, $0x38;
	[tilespmem:$0x127A0] =	vst v63  }
0x90: {  	_ =	swait.ge [sflag:s19], $0x50  }
0x91: {  	[sflag:s19] =	ssyncset.done $0x0  }
0x92: {  	s0 =	sadd.s32 s8, s0;
	[sflag:s19] =	ssyncadd.s32 $0xFFFFFFB0  }
0x93: {  	[tilespmem:s20], [sflag:$0x3] =	stream.linear.gather [hbm4b:s0+s28], $0x50, $0x38;
	[tilespmem:$0x127A0] =	vst v63  }
0x94: {  	_ =	swait.ge [sflag:s19], $0x50  }
0x95: {  	[sflag:s19] =	ssyncset.done $0x0  }
0x96: {  	[sflag:s19] =	ssyncadd.s32 $0xFFFFFFB0  }
0x97: {  	[tilespmem:s21], [sflag:$0x1] =	stream.indirect.gather [hbm4b:s5+s20], $0x50, s28, s20, $0xb8;
	[tilespmem:$0x127A0] =	vst v63  }
0x98: {  	s31 =	simm.s32 $0x19A0  }
0x99: {  	[tilespmem:s31], [sflag:$0x2] =	stream.indirect.gather [hbm4b:s6+s20], $0x10, s20, s20, $0xb8;
	[tilespmem:$0x127A0] =	vst v63  }
0x9a: {  	_ =	swait.ge [sflag:s22], $0x1900  }
0x9b: {  	[sflag:s22] =	ssyncset.done $0x0  }
0x9c: {  	[sflag:s22] =	ssyncadd.s32 $0xFFFFE700  }
0x9d: {  	_ =	swait.ge [sflag:s23], $0x500  }
0x9e: {  	[sflag:s23] =	ssyncset.done $0x0  }
0x9f: {  	s30 =	simm.s32 $0x0;
	[sflag:s23] =	ssyncadd.s32 $0xFFFFFB00  }
0xa0: {  	s0 =	simm.s32 $0x140;
	v1 =	vld [tilespmem:s30+$0xE0]  }
.LBB2_9:
0xa1: {  	p0 =	sne.s32 s0, $0x62C0;
	v2 =	vld [tilespmem:s31+$0x0];
	_ =	sdelay $0x4  }
0xa2: {  	v1 =	vadd.f32 v2, v1;
	_ =	sdelay $0x1  }
0xa3: {  	v2 =	vmul.f32 $2.000000030e-01, v1;
	_ =	sdelay $0x1  }
0xa4: {  	v1 =	vmax.f32 v1, v2  }
0xa5: {  	v1 =	vmul.f32 $1.442695020e+00, v1;
	_ =	sdelay $0x1  }
0xa6: {  	(erf) = vpow2.f32 v1;
	_ =	sdelay $0x4  }
0xa7: {  	v1 =	vld [tilespmem:s30+$0xA0]  }
0xa8: {  	v2 =	vld [tilespmem:s30+$0xB0]  }
0xa9: {  	v3 =	vld [tilespmem:s30+$0xC0]  }
0xaa: {  	v4 =	vld [tilespmem:s30+$0xD0]  }
0xab: {  	v5 =	vpop (erf)  }
0xac: {  	[tilespmem:s30+$0x1EE0] =	vst v5;
	v6 =	vbroadcast v5, $0x4;
	v7 =	vbroadcast v5, $0x5  }
0xad: {  	v8 =	vbroadcast v5, $0x6;
	v5 =	vbroadcast v5, $0x7  }
0xae: {  	v1 =	vmul.f32 v6, v1;
	v2 =	vmul.f32 v7, v2  }
.Ltmp3:
0xaf: {  	v3 =	vmul.f32 v8, v3;
	v4 =	vmul.f32 v4, v5;
	(pc) =	sbr.rel @p0 .LBB2_9-.Ltmp3, $4  }
0xb0: {  	[tilespmem:s30+$0x1EA0] =	vst v1  }
0xb1: {  	[tilespmem:s30+$0x1EB0] =	vst v2  }
0xb2: {  	s1 =	sshra.s32 s0, $0x2;
	[tilespmem:s30+$0x1EC0] =	vst v3  }
0xb3: {  	s0 =	sadd.s32 $0x140, s0;
	s31 =	sadd.s32 $0x10, s31;
	v1 =	vld [tilespmem:s1+$0xE0];
	[tilespmem:s30+$0x1ED0] =	vst v4;
	s30 =	smov.u32 s1  }
0xb4: {  	v2 =	vld [tilespmem:s31+$0x0];
	_ =	sdelay $0x4  }
0xb5: {  	v1 =	vadd.f32 v2, v1;
	_ =	sdelay $0x1  }
0xb6: {  	v2 =	vmul.f32 $2.000000030e-01, v1;
	_ =	sdelay $0x1  }
0xb7: {  	v1 =	vmax.f32 v1, v2  }
0xb8: {  	v1 =	vmul.f32 $1.442695020e+00, v1;
	_ =	sdelay $0x1  }
0xb9: {  	(erf) = vpow2.f32 v1;
	_ =	sdelay $0x6  }
0xba: {  	v1 =	vld [tilespmem:s30+$0xA0]  }
0xbb: {  	v2 =	vld [tilespmem:s30+$0xB0]  }
0xbc: {  	v3 =	vld [tilespmem:s30+$0xC0];
	v4 =	vpop (erf)  }
0xbd: {  	v5 =	vld [tilespmem:s30+$0xD0];
	v6 =	vbroadcast v4, $0x4  }
0xbe: {  	v7 =	vbroadcast v4, $0x5  }
0xbf: {  	v8 =	vbroadcast v4, $0x6;
	v1 =	vmul.f32 v6, v1  }
0xc0: {  	[tilespmem:s30+$0x1EE0] =	vst v4;
	v4 =	vbroadcast v4, $0x7;
	v2 =	vmul.f32 v7, v2  }
0xc1: {  	v3 =	vmul.f32 v8, v3;
	[tilespmem:s30+$0x1EA0] =	vst v1  }
0xc2: {  	s29 =	sadd.s32 $0x1, s29;
	v1 =	vmul.f32 v5, v4;
	[tilespmem:s30+$0x1EB0] =	vst v2  }
0xc3: {  	p0 =	sne.s32 s29, $0x7D;
	[tilespmem:s30+$0x1EC0] =	vst v3  }
.Ltmp4:
0xc4: {  	[tilespmem:s30+$0x1ED0] =	vst v1;
	(pc) =	sbr.rel @p0 .LBB2_8-.Ltmp4, $4  }
0xc5: {  	[spmem:s2] =	stream.indirect.scatter.add.f32 [tilespmem:s24], [sflag:$0x3], $0x50, s20, s20, $0xb8;
	[tilespmem:$0x127A0] =	vst v63  }
0xc6: {  	_ =	swait.ge [sflag:s19], $0x1900  }
0xc7: {  	[sflag:s19] =	ssyncset.done $0x0  }
0xc8: {  	[sflag:s19] =	ssyncadd.s32 $0xFFFFE700  }
0xc9: {  	s3 =	sadd.s32 $0x1, s3  }
0xca: {  	p0 =	sne.s32 s3, s17  }
.Ltmp5:
0xcb: {  	[bflag:$0x0] =	sbarrier.arrive $0xFFFF;
	(pc) =	sbr.rel @p0 .LBB2_1-.Ltmp5, $4  }
0xcc: {  	[hbm:s16], [sflag:s25] =	dma.local [spmem:s26], $0x1900  }
0xcd: {  	_ =	swait.ge [sflag:s19], $0x1900  }
0xce: {  	[sflag:s19] =	ssyncset.done $0x0  }
0xcf: {  	[sflag:s19] =	ssyncadd.s32 $0xFFFFE700  }
0xd0: {  	_ =	sfence.sel $0x180000  }
0xd1: {  	[bflag:$0x0] =	sbarrier.arrive $0xFFFF  }
0xd2: {  	_ =	strace $0x90000047  }
0xd3: {  	s0 =	stileid.u32;
	[bflag:$0x2] =	sbarrier.arrive $0xFFFF  }
0xd4: {  	p0 =	sne.s32 s0, $0x0;
	s0 =	rddreg [dreg:$0x2]  }
0xd5: {  	s0 =	sadd.s32 @!p0 $0x100000, s0  }
0xd6: {  	[sflag:s0] =	ssyncadd.tile.s32 @!p0 $0x1;
	_ =	shalt  }
.Lfunc_end2:
_tile_overlayer_lowered:
.L_overlay_start_2:
0xd7: {  	(tag) =	ssettag $0x2  }
0xd8: {  	s0 =	rddreg [dreg:$0x0];
	s2 =	stileid.u32  }
0xd9: {  	s1 =	rddreg [dreg:$0x1];
	p0 =	sne.s32 s2, $0x0  }
0xda: {  	s3 =	rddreg [dreg:$0x2];
	[bflag:$0x3] =	sbarrier.arrive $0xFFFF;
	s2 =	simm.s32 @!p0 $0x1C03  }
0xdb: {  	[timem:s3], [sflag:s2] =	dma.local @!p0 [hbm:s0], s1  }
0xdc: {  	s0 =	simm.s32 @!p0 $0x3  }
0xdd: {  	_ =	swait.ge @!p0 [sflag:s0], s1  }
0xde: {  	s1 =	ssub.s32 @!p0 $0x0, s1;
	[sflag:s0] =	ssyncset.done @!p0 $0x0  }
0xdf: {  	[sflag:s0] =	ssyncadd.s32 @!p0 s1  }
0xe0: {  	[bflag:$0x3] =	sbarrier.arrive $0xFFFF  }
0xe1: {  	_ =	shalt  }

</sc_bundles>
